<compile_context>
chip_gen: v7x
topology: tpu7x:2x2x1
jax: 0.10.2.dev20260603
libtpu: 0.0.44.dev20260713+nightly
codegen_flags: <defaults>
</compile_context>

<pallas_src>
import functools

import jax
import jax.numpy as jnp
from jax import lax
from jax.experimental import pallas as pl
from jax.experimental.pallas import tpu as pltpu
from jax.experimental.pallas import tpu_sc as plsc

B = 16384
NF = 26
ED = 10
EDP = 16
FEAT = NF * ED
FEATP = NF * EDP
NC, NS = 2, 16
NW = NC * NS
DEEP = B * NF
PER_W = DEEP // NW
G = 128
KTOT = PER_W // G
NCH = 8
KCH = KTOT // NCH
CH = PER_W // NCH
WPER = B // NW
KW = WPER // G
LRR = 1000000 // EDP


def _sc_gather(idx_d, idx_w, stable16, lr16):
    mesh = plsc.VectorSubcoreMesh(
        core_axis_name="c", subcore_axis_name="s", num_cores=NC, num_subcores=NS
    )

    @functools.partial(
        pl.kernel,
        out_type=(
            jax.ShapeDtypeStruct((DEEP, EDP), jnp.float32),
            jax.ShapeDtypeStruct((B, EDP), jnp.float32),
        ),
        mesh=mesh,
        compiler_params=pltpu.CompilerParams(use_tc_tiling_on_sc=False),
        scratch_types=(
            pltpu.VMEM((KTOT, G), jnp.int32),
            pltpu.VMEM((CH, EDP), jnp.float32),
            pltpu.VMEM((KW, G), jnp.int32),
            pltpu.VMEM((WPER, EDP), jnp.float32),
            pltpu.SemaphoreType.DMA,
        ),
    )
    def run(idx_d_hbm, idx_w_hbm, st_hbm, lr_hbm, out_e, out_w, idx_v, ebuf, widx_v, wbuf, sem):
        wid = lax.axis_index("s") * NC + lax.axis_index("c")
        pltpu.sync_copy(idx_d_hbm.at[wid], idx_v)
        pltpu.sync_copy(idx_w_hbm.at[wid], widx_v)

        wcps = [
            pltpu.make_async_copy(lr_hbm.at[widx_v.at[j]], wbuf.at[pl.ds(j * G, G)], sem)
            for j in range(KW)
        ]
        for cp in wcps:
            cp.start()
        for cp in wcps:
            cp.wait()
        pltpu.sync_copy(wbuf, out_w.at[pl.ds(wid * WPER, WPER)])

        base = wid * PER_W

        def chunk(c, carry):
            cps = [
                pltpu.make_async_copy(
                    st_hbm.at[idx_v.at[c * KCH + j]], ebuf.at[pl.ds(j * G, G)], sem
                )
                for j in range(KCH)
            ]
            for cp in cps:
                cp.start()
            for cp in cps:
                cp.wait()
            pltpu.sync_copy(ebuf, out_e.at[pl.ds(base + c * CH, CH)])
            return carry

        lax.fori_loop(0, NCH, chunk, 0)

    return run(idx_d, idx_w, stable16, lr16)


TBV = 32768


def _tp_body(in_ref, out_ref):
    xt = jnp.transpose(in_ref[...], (1, 0))
    zcol = jnp.zeros((TBV // 8, EDP - ED), jnp.float32)
    xt3 = xt.reshape(TBV // 8, 8, ED)
    for k in range(8):
        out_ref[:, k * EDP:k * EDP + ED] = xt3[:, k, :]
        out_ref[:, k * EDP + ED:(k + 1) * EDP] = zcol


def _transpose_pad(st_t):
    nv = st_t.shape[1]
    grid = (nv + TBV - 1) // TBV
    return pl.pallas_call(
        _tp_body,
        grid=(grid,),
        in_specs=[pl.BlockSpec((ED, TBV), lambda i: (0, i))],
        out_specs=pl.BlockSpec((TBV // 8, 128), lambda i: (i, 0)),
        out_shape=jax.ShapeDtypeStruct((nv // 8, 128), jnp.float32),
    )(st_t)


TB = 1024
NT = B // TB


def _mlp_body(e_ref, w16_ref, lane_ref, w1_ref, b1_ref, w2_ref, b2_ref, w3_ref,
              b3_ref, w4_ref, b4_ref, out_ref, stat_ref):
    p = pl.program_id(0)
    t = pl.program_id(1)

    @pl.when(p == 0)
    def _stats():
        e = e_ref[...]
        s = jnp.sum(e, axis=0, keepdims=True)
        s2 = jnp.sum(e * e, axis=0, keepdims=True)

        @pl.when(t == 0)
        def _init():
            stat_ref[0:1, :] = s
            stat_ref[1:2, :] = s2

        @pl.when(t > 0)
        def _acc():
            stat_ref[0:1, :] += s
            stat_ref[1:2, :] += s2

        @pl.when(t == NT - 1)
        def _fin():
            mean = stat_ref[0:1, :] * (1.0 / B)
            var = stat_ref[1:2, :] * (1.0 / B) - mean * mean
            stat_ref[0:1, :] = mean
            stat_ref[1:2, :] = lax.rsqrt(var + 1e-5)

    @pl.when(p == 1)
    def _mlp():
        mean = stat_ref[0:1, :]
        istd = stat_ref[1:2, :]
        h = ((e_ref[...] - mean) * istd).astype(jnp.bfloat16)
        h = jnp.maximum(jnp.dot(h, w1_ref[...], preferred_element_type=jnp.float32) + b1_ref[...], 0.0).astype(jnp.bfloat16)
        h = jnp.maximum(jnp.dot(h, w2_ref[...], preferred_element_type=jnp.float32) + b2_ref[...], 0.0).astype(jnp.bfloat16)
        h = jnp.maximum(jnp.dot(h, w3_ref[...], preferred_element_type=jnp.float32) + b3_ref[...], 0.0).astype(jnp.bfloat16)
        lane_hit = jax.lax.broadcasted_iota(jnp.int32, (TB, EDP), 1) == lane_ref[...]
        x1 = jnp.sum(jnp.where(lane_hit, w16_ref[...], 0.0), axis=1, keepdims=True)
        z = jnp.dot(h, w4_ref[...], preferred_element_type=jnp.float32) + b4_ref[...] + x1
        out_ref[...] = jax.nn.sigmoid(z)


def _mlp(E, w16, lane, W1, b1, W2, b2, W3, b3, W4, b4):
    return pl.pallas_call(
        _mlp_body,
        grid=(2, NT),
        in_specs=[
            pl.BlockSpec((TB, FEATP), lambda p, t: (t, 0)),
            pl.BlockSpec((TB, EDP), lambda p, t: (t, 0)),
            pl.BlockSpec((TB, 1), lambda p, t: (t, 0)),
            pl.BlockSpec((FEATP, 1024), lambda p, t: (0, 0)),
            pl.BlockSpec((1, 1024), lambda p, t: (0, 0)),
            pl.BlockSpec((1024, 512), lambda p, t: (0, 0)),
            pl.BlockSpec((1, 512), lambda p, t: (0, 0)),
            pl.BlockSpec((512, 256), lambda p, t: (0, 0)),
            pl.BlockSpec((1, 256), lambda p, t: (0, 0)),
            pl.BlockSpec((256, 1), lambda p, t: (0, 0)),
            pl.BlockSpec((1, 1), lambda p, t: (0, 0)),
        ],
        out_specs=pl.BlockSpec((TB, 1), lambda p, t: (t, 0)),
        out_shape=jax.ShapeDtypeStruct((B, 1), jnp.float32),
        scratch_shapes=[pltpu.VMEM((2, FEATP), jnp.float32)],
    )(E, w16, lane, W1, b1, W2, b2, W3, b3, W4, b4)


def kernel(x, lr_table, sparse_table, W1, b1, W2, b2, W3, b3, W4, b4):
    xi = x.astype(jnp.int32)
    idx_d = xi.reshape(NW, KTOT, G)
    x0 = xi[:, 0]
    idx_w = (x0 // EDP).reshape(NW, KW, G)
    lane = (x0 % EDP).reshape(B, 1)
    st16 = _transpose_pad(sparse_table.T).reshape(1000000, EDP)
    lr16 = lr_table[:, 0].reshape(LRR, EDP)
    e_flat, w16 = _sc_gather(idx_d, idx_w, st16, lr16)
    E = e_flat.reshape(B, FEATP)
    W1p = jnp.zeros((FEATP, 1024), W1.dtype).at[
        (jnp.arange(FEAT) // ED) * EDP + (jnp.arange(FEAT) % ED)
    ].set(W1)
    return _mlp(
        E, w16, lane,
        W1p.astype(jnp.bfloat16), b1.reshape(1, 1024),
        W2.astype(jnp.bfloat16), b2.reshape(1, 512),
        W3.astype(jnp.bfloat16), b3.reshape(1, 256),
        W4.astype(jnp.bfloat16), b4.reshape(1, 1),
    )

# --- scband reference (transcript-rebuilt; emitter-appended) ---
"""Pipeline reference for scband-wide-deep-8229157339446 (READ-ONLY COPY).

The authoritative reference and input builder live on the scoring server;
editing this copy changes nothing except your own understanding.
"""

import jax, jax.numpy as jnp
import numpy as np

BATCH = 16384
N_FIELDS = 26
VOCAB = 1000000
EMB_DIM = 10
FEAT = N_FIELDS * EMB_DIM  # 260


def setup_inputs(seed: int = 0) -> dict:
    key = jax.random.key(seed)
    ks = jax.random.split(key, 12)
    x = jax.random.randint(ks[0], (BATCH, N_FIELDS), 0, VOCAB, dtype=jnp.int64)
    # Embedding tables (NormalTensorInitializer var=0.01 -> std=0.1)
    lr_table = jax.random.normal(ks[1], (VOCAB, EMB_DIM), dtype=jnp.float32) * 0.1
    sparse_table = jax.random.normal(ks[2], (VOCAB, EMB_DIM), dtype=jnp.float32) * 0.1
    # DNN weights: 260 -> 1024 -> 512 -> 256 -> 1
    W1 = jax.random.normal(ks[3], (FEAT, 1024), dtype=jnp.float32) * (1.0 / np.sqrt(FEAT))
    b1 = jnp.zeros((1024,), dtype=jnp.float32)
    W2 = jax.random.normal(ks[4], (1024, 512), dtype=jnp.float32) * (1.0 / np.sqrt(1024))
    b2 = jnp.zeros((512,), dtype=jnp.float32)
    W3 = jax.random.normal(ks[5], (512, 256), dtype=jnp.float32) * (1.0 / np.sqrt(512))
    b3 = jnp.zeros((256,), dtype=jnp.float32)
    W4 = jax.random.normal(ks[6], (256, 1), dtype=jnp.float32) * (1.0 / np.sqrt(256))
    b4 = jnp.zeros((1,), dtype=jnp.float32)
    return {"x": x, "lr_table": lr_table, "sparse_table": sparse_table,
            "W1": W1, "b1": b1, "W2": W2, "b2": b2, "W3": W3, "b3": b3, "W4": W4, "b4": b4}


def _embedding_sum_concat(table, x):
    # one index per field -> gather then concat fields: [B, N_FIELDS*EMB_DIM]
    emb = jnp.take(table, x, axis=0)  # [B, N_FIELDS, EMB_DIM]
    return emb.reshape(x.shape[0], -1)


def _normalize(h, eps=1e-5):
    mean = jnp.mean(h, axis=0, keepdims=True)
    var = jnp.var(h, axis=0, keepdims=True)
    return (h - mean) / jnp.sqrt(var + eps)


def reference(x, lr_table, sparse_table, W1, b1, W2, b2, W3, b3, W4, b4):
    # wide (lr) part: EmbeddingSumConcat, take first column
    x1 = _embedding_sum_concat(lr_table, x)[:, 0:1]
    # deep part
    x2 = _embedding_sum_concat(sparse_table, x)
    h = _normalize(x2)
    h = jax.nn.relu(h @ W1 + b1)
    h = jax.nn.relu(h @ W2 + b2)
    h = jax.nn.relu(h @ W3 + b3)
    h = h @ W4 + b4
    out = jax.nn.sigmoid(x1 + h)
    return out

if __name__ == "__main__":
    import jax
    _d = setup_inputs()
    print(jax.jit(kernel)(*tuple(_d.values())))

</pallas_src>

<mosaic_0001>
#map = affine_map<(d0, d1) -> (0, 0, 0)>
#map1 = affine_map<(d0, d1) -> (0, 0)>
module attributes {stable_mosaic.version = 14 : i64} {
  func.func @run(%arg0: i32, %arg1: i32, %arg2: memref<32x104x128xi32, #tpu.memory_space<hbm>>, %arg3: memref<32x4x128xi32, #tpu.memory_space<hbm>>, %arg4: memref<1000000x16xf32, #tpu.memory_space<hbm>>, %arg5: memref<62500x16xf32, #tpu.memory_space<hbm>>, %arg6: memref<425984x16xf32, #tpu.memory_space<hbm>>, %arg7: memref<16384x16xf32, #tpu.memory_space<hbm>>, %arg8: memref<104x128xi32, #tpu.memory_space<vmem>>, %arg9: memref<1664x16xf32, #tpu.memory_space<vmem>>, %arg10: memref<4x128xi32, #tpu.memory_space<vmem>>, %arg11: memref<512x16xf32, #tpu.memory_space<vmem>>, %arg12: memref<!tpu.dma_semaphore, #tpu.memory_space<semaphore_mem>>) attributes {dimension_semantics = [#tpu.dimension_semantics<core_parallel>, #tpu.dimension_semantics<subcore_parallel>], iteration_bounds = array<i64: 2, 16>, scalar_prefetch = 0 : i64, scratch_operands = 5 : i64, tpu.core_type = #tpu.core_type<sc_vector_subcore>, window_params = [{transform_indices = #map}, {transform_indices = #map}, {transform_indices = #map1}, {transform_indices = #map1}, {transform_indices = #map1}, {transform_indices = #map1}]} {
    %mul3A = arith.constant 2 : i32
    %mul3A_0 = arith.muli %arg1, %mul3A : i32
    %add3A = arith.addi %mul3A_0, %arg0 : i32
    "tpu.region"() ({
      %run_scoped3A = tpu.sem_alloc : memref<!tpu.dma_semaphore, #tpu.memory_space<semaphore_mem>>
      %dma_start3A_88 = arith.constant 0 : i32
      %dma_start3A_89 = arith.constant 0 : i32
      %dma_start3A_90 = tpu.memref_slice %arg2[%add3A, %dma_start3A_88, %dma_start3A_89] : memref<32x104x128xi32, #tpu.memory_space<hbm>> -> memref<1x104x128xi32, #tpu.memory_space<hbm>>
      %dma_start3A_91 = tpu.memref_squeeze %dma_start3A_90 : memref<1x104x128xi32, #tpu.memory_space<hbm>> -> memref<104x128xi32, #tpu.memory_space<hbm>>
      %dma_start3A_92 = arith.constant 0 : i32
      %dma_start3A_93 = arith.constant 0 : i32
      %dma_start3A_94 = tpu.memref_slice %arg2[%add3A, %dma_start3A_92, %dma_start3A_93] : memref<32x104x128xi32, #tpu.memory_space<hbm>> -> memref<1x104x128xi32, #tpu.memory_space<hbm>>
      %dma_start3A_95 = tpu.memref_squeeze %dma_start3A_94 : memref<1x104x128xi32, #tpu.memory_space<hbm>> -> memref<104x128xi32, #tpu.memory_space<hbm>>
      tpu.enqueue_dma source(%dma_start3A_95 : memref<104x128xi32, #tpu.memory_space<hbm>>) target(%arg8 : memref<104x128xi32, #tpu.memory_space<vmem>>) target_semaphore(%run_scoped3A : memref<!tpu.dma_semaphore, #tpu.memory_space<semaphore_mem>>)
      %dma_wait3A_96 = arith.constant 0 : i32
      %dma_wait3A_97 = arith.constant 0 : i32
      %dma_wait3A_98 = tpu.memref_slice %arg2[%add3A, %dma_wait3A_96, %dma_wait3A_97] : memref<32x104x128xi32, #tpu.memory_space<hbm>> -> memref<1x104x128xi32, #tpu.memory_space<hbm>>
      %dma_wait3A_99 = tpu.memref_squeeze %dma_wait3A_98 : memref<1x104x128xi32, #tpu.memory_space<hbm>> -> memref<104x128xi32, #tpu.memory_space<hbm>>
      %dma_wait3A_100 = arith.constant 0 : i32
      %dma_wait3A_101 = arith.constant 0 : i32
      %dma_wait3A_102 = tpu.memref_slice %arg2[%add3A, %dma_wait3A_100, %dma_wait3A_101] : memref<32x104x128xi32, #tpu.memory_space<hbm>> -> memref<1x104x128xi32, #tpu.memory_space<hbm>>
      %dma_wait3A_103 = tpu.memref_squeeze %dma_wait3A_102 : memref<1x104x128xi32, #tpu.memory_space<hbm>> -> memref<104x128xi32, #tpu.memory_space<hbm>>
      tpu.wait_dma2 semaphore(%run_scoped3A : memref<!tpu.dma_semaphore, #tpu.memory_space<semaphore_mem>>) src(%dma_wait3A_103 : memref<104x128xi32, #tpu.memory_space<hbm>>) dst(%arg8 : memref<104x128xi32, #tpu.memory_space<vmem>>)
      tpu.yield
    }) : () -> ()
    "tpu.region"() ({
      %run_scoped3A = tpu.sem_alloc : memref<!tpu.dma_semaphore, #tpu.memory_space<semaphore_mem>>
      %dma_start3A_88 = arith.constant 0 : i32
      %dma_start3A_89 = arith.constant 0 : i32
      %dma_start3A_90 = tpu.memref_slice %arg3[%add3A, %dma_start3A_88, %dma_start3A_89] : memref<32x4x128xi32, #tpu.memory_space<hbm>> -> memref<1x4x128xi32, #tpu.memory_space<hbm>>
      %dma_start3A_91 = tpu.memref_squeeze %dma_start3A_90 : memref<1x4x128xi32, #tpu.memory_space<hbm>> -> memref<4x128xi32, #tpu.memory_space<hbm>>
      %dma_start3A_92 = arith.constant 0 : i32
      %dma_start3A_93 = arith.constant 0 : i32
      %dma_start3A_94 = tpu.memref_slice %arg3[%add3A, %dma_start3A_92, %dma_start3A_93] : memref<32x4x128xi32, #tpu.memory_space<hbm>> -> memref<1x4x128xi32, #tpu.memory_space<hbm>>
      %dma_start3A_95 = tpu.memref_squeeze %dma_start3A_94 : memref<1x4x128xi32, #tpu.memory_space<hbm>> -> memref<4x128xi32, #tpu.memory_space<hbm>>
      tpu.enqueue_dma source(%dma_start3A_95 : memref<4x128xi32, #tpu.memory_space<hbm>>) target(%arg10 : memref<4x128xi32, #tpu.memory_space<vmem>>) target_semaphore(%run_scoped3A : memref<!tpu.dma_semaphore, #tpu.memory_space<semaphore_mem>>)
      %dma_wait3A_96 = arith.constant 0 : i32
      %dma_wait3A_97 = arith.constant 0 : i32
      %dma_wait3A_98 = tpu.memref_slice %arg3[%add3A, %dma_wait3A_96, %dma_wait3A_97] : memref<32x4x128xi32, #tpu.memory_space<hbm>> -> memref<1x4x128xi32, #tpu.memory_space<hbm>>
      %dma_wait3A_99 = tpu.memref_squeeze %dma_wait3A_98 : memref<1x4x128xi32, #tpu.memory_space<hbm>> -> memref<4x128xi32, #tpu.memory_space<hbm>>
      %dma_wait3A_100 = arith.constant 0 : i32
      %dma_wait3A_101 = arith.constant 0 : i32
      %dma_wait3A_102 = tpu.memref_slice %arg3[%add3A, %dma_wait3A_100, %dma_wait3A_101] : memref<32x4x128xi32, #tpu.memory_space<hbm>> -> memref<1x4x128xi32, #tpu.memory_space<hbm>>
      %dma_wait3A_103 = tpu.memref_squeeze %dma_wait3A_102 : memref<1x4x128xi32, #tpu.memory_space<hbm>> -> memref<4x128xi32, #tpu.memory_space<hbm>>
      tpu.wait_dma2 semaphore(%run_scoped3A : memref<!tpu.dma_semaphore, #tpu.memory_space<semaphore_mem>>) src(%dma_wait3A_103 : memref<4x128xi32, #tpu.memory_space<hbm>>) dst(%arg10 : memref<4x128xi32, #tpu.memory_space<vmem>>)
      tpu.yield
    }) : () -> ()
    %dma_start3A = arith.constant 0 : i32
    %dma_start3A_1 = arith.constant 0 : i32
    %dma_start3A_2 = arith.constant 0 : i32
    %dma_start3A_3 = tpu.memref_slice %arg11[%dma_start3A_1, %dma_start3A_2] : memref<512x16xf32, #tpu.memory_space<vmem>> -> memref<128x16xf32, #tpu.memory_space<vmem>>
    %dma_start3A_4 = arith.constant 0 : i32
    %dma_start3A_5 = tpu.memref_slice %arg10[%dma_start3A, %dma_start3A_4] : memref<4x128xi32, #tpu.memory_space<vmem>> -> memref<1x128xi32, #tpu.memory_space<vmem>>
    %dma_start3A_6 = tpu.memref_squeeze %dma_start3A_5 : memref<1x128xi32, #tpu.memory_space<vmem>> -> memref<128xi32, #tpu.memory_space<vmem>>
    %dma_start3A_7 = arith.constant 0 : i32
    %dma_start3A_8 = arith.constant 0 : i32
    %dma_start3A_9 = tpu.memref_slice %arg5[%dma_start3A_7, %dma_start3A_8] : memref<62500x16xf32, #tpu.memory_space<hbm>> -> memref<62500x16xf32, #tpu.memory_space<hbm>>
    tpu.enqueue_indirect_dma source(%dma_start3A_9 : memref<62500x16xf32, #tpu.memory_space<hbm>>) target(%dma_start3A_3 : memref<128x16xf32, #tpu.memory_space<vmem>>) offsets(%dma_start3A_6 : memref<128xi32, #tpu.memory_space<vmem>>) semaphore(%arg12 : memref<!tpu.dma_semaphore, #tpu.memory_space<semaphore_mem>>)
    %dma_start3A_10 = arith.constant 1 : i32
    %dma_start3A_11 = arith.constant 128 : i32
    %dma_start3A_12 = arith.constant 0 : i32
    %dma_start3A_13 = tpu.memref_slice %arg11[%dma_start3A_11, %dma_start3A_12] : memref<512x16xf32, #tpu.memory_space<vmem>> -> memref<128x16xf32, #tpu.memory_space<vmem>>
    %dma_start3A_14 = arith.constant 0 : i32
    %dma_start3A_15 = tpu.memref_slice %arg10[%dma_start3A_10, %dma_start3A_14] : memref<4x128xi32, #tpu.memory_space<vmem>> -> memref<1x128xi32, #tpu.memory_space<vmem>>
    %dma_start3A_16 = tpu.memref_squeeze %dma_start3A_15 : memref<1x128xi32, #tpu.memory_space<vmem>> -> memref<128xi32, #tpu.memory_space<vmem>>
    %dma_start3A_17 = arith.constant 0 : i32
    %dma_start3A_18 = arith.constant 0 : i32
    %dma_start3A_19 = tpu.memref_slice %arg5[%dma_start3A_17, %dma_start3A_18] : memref<62500x16xf32, #tpu.memory_space<hbm>> -> memref<62500x16xf32, #tpu.memory_space<hbm>>
    tpu.enqueue_indirect_dma source(%dma_start3A_19 : memref<62500x16xf32, #tpu.memory_space<hbm>>) target(%dma_start3A_13 : memref<128x16xf32, #tpu.memory_space<vmem>>) offsets(%dma_start3A_16 : memref<128xi32, #tpu.memory_space<vmem>>) semaphore(%arg12 : memref<!tpu.dma_semaphore, #tpu.memory_space<semaphore_mem>>)
    %dma_start3A_20 = arith.constant 2 : i32
    %dma_start3A_21 = arith.constant 256 : i32
    %dma_start3A_22 = arith.constant 0 : i32
    %dma_start3A_23 = tpu.memref_slice %arg11[%dma_start3A_21, %dma_start3A_22] : memref<512x16xf32, #tpu.memory_space<vmem>> -> memref<128x16xf32, #tpu.memory_space<vmem>>
    %dma_start3A_24 = arith.constant 0 : i32
    %dma_start3A_25 = tpu.memref_slice %arg10[%dma_start3A_20, %dma_start3A_24] : memref<4x128xi32, #tpu.memory_space<vmem>> -> memref<1x128xi32, #tpu.memory_space<vmem>>
    %dma_start3A_26 = tpu.memref_squeeze %dma_start3A_25 : memref<1x128xi32, #tpu.memory_space<vmem>> -> memref<128xi32, #tpu.memory_space<vmem>>
    %dma_start3A_27 = arith.constant 0 : i32
    %dma_start3A_28 = arith.constant 0 : i32
    %dma_start3A_29 = tpu.memref_slice %arg5[%dma_start3A_27, %dma_start3A_28] : memref<62500x16xf32, #tpu.memory_space<hbm>> -> memref<62500x16xf32, #tpu.memory_space<hbm>>
    tpu.enqueue_indirect_dma source(%dma_start3A_29 : memref<62500x16xf32, #tpu.memory_space<hbm>>) target(%dma_start3A_23 : memref<128x16xf32, #tpu.memory_space<vmem>>) offsets(%dma_start3A_26 : memref<128xi32, #tpu.memory_space<vmem>>) semaphore(%arg12 : memref<!tpu.dma_semaphore, #tpu.memory_space<semaphore_mem>>)
    %dma_start3A_30 = arith.constant 3 : i32
    %dma_start3A_31 = arith.constant 384 : i32
    %dma_start3A_32 = arith.constant 0 : i32
    %dma_start3A_33 = tpu.memref_slice %arg11[%dma_start3A_31, %dma_start3A_32] : memref<512x16xf32, #tpu.memory_space<vmem>> -> memref<128x16xf32, #tpu.memory_space<vmem>>
    %dma_start3A_34 = arith.constant 0 : i32
    %dma_start3A_35 = tpu.memref_slice %arg10[%dma_start3A_30, %dma_start3A_34] : memref<4x128xi32, #tpu.memory_space<vmem>> -> memref<1x128xi32, #tpu.memory_space<vmem>>
    %dma_start3A_36 = tpu.memref_squeeze %dma_start3A_35 : memref<1x128xi32, #tpu.memory_space<vmem>> -> memref<128xi32, #tpu.memory_space<vmem>>
    %dma_start3A_37 = arith.constant 0 : i32
    %dma_start3A_38 = arith.constant 0 : i32
    %dma_start3A_39 = tpu.memref_slice %arg5[%dma_start3A_37, %dma_start3A_38] : memref<62500x16xf32, #tpu.memory_space<hbm>> -> memref<62500x16xf32, #tpu.memory_space<hbm>>
    tpu.enqueue_indirect_dma source(%dma_start3A_39 : memref<62500x16xf32, #tpu.memory_space<hbm>>) target(%dma_start3A_33 : memref<128x16xf32, #tpu.memory_space<vmem>>) offsets(%dma_start3A_36 : memref<128xi32, #tpu.memory_space<vmem>>) semaphore(%arg12 : memref<!tpu.dma_semaphore, #tpu.memory_space<semaphore_mem>>)
    %dma_wait3A = arith.constant 0 : i32
    %dma_wait3A_40 = arith.constant 0 : i32
    %dma_wait3A_41 = arith.constant 0 : i32
    %dma_wait3A_42 = tpu.memref_slice %arg11[%dma_wait3A_40, %dma_wait3A_41] : memref<512x16xf32, #tpu.memory_space<vmem>> -> memref<128x16xf32, #tpu.memory_space<vmem>>
    %dma_wait3A_43 = arith.constant 0 : i32
    %dma_wait3A_44 = tpu.memref_slice %arg10[%dma_wait3A, %dma_wait3A_43] : memref<4x128xi32, #tpu.memory_space<vmem>> -> memref<1x128xi32, #tpu.memory_space<vmem>>
    %dma_wait3A_45 = tpu.memref_squeeze %dma_wait3A_44 : memref<1x128xi32, #tpu.memory_space<vmem>> -> memref<128xi32, #tpu.memory_space<vmem>>
    %dma_wait3A_46 = arith.constant 0 : i32
    %dma_wait3A_47 = arith.constant 0 : i32
    %dma_wait3A_48 = tpu.memref_slice %arg5[%dma_wait3A_46, %dma_wait3A_47] : memref<62500x16xf32, #tpu.memory_space<hbm>> -> memref<62500x16xf32, #tpu.memory_space<hbm>>
    tpu.wait_indirect_dma semaphore(%arg12 : memref<!tpu.dma_semaphore, #tpu.memory_space<semaphore_mem>>) src(%dma_wait3A_48 : memref<62500x16xf32, #tpu.memory_space<hbm>>) dst(%dma_wait3A_42 : memref<128x16xf32, #tpu.memory_space<vmem>>)
    %dma_wait3A_49 = arith.constant 1 : i32
    %dma_wait3A_50 = arith.constant 128 : i32
    %dma_wait3A_51 = arith.constant 0 : i32
    %dma_wait3A_52 = tpu.memref_slice %arg11[%dma_wait3A_50, %dma_wait3A_51] : memref<512x16xf32, #tpu.memory_space<vmem>> -> memref<128x16xf32, #tpu.memory_space<vmem>>
    %dma_wait3A_53 = arith.constant 0 : i32
    %dma_wait3A_54 = tpu.memref_slice %arg10[%dma_wait3A_49, %dma_wait3A_53] : memref<4x128xi32, #tpu.memory_space<vmem>> -> memref<1x128xi32, #tpu.memory_space<vmem>>
    %dma_wait3A_55 = tpu.memref_squeeze %dma_wait3A_54 : memref<1x128xi32, #tpu.memory_space<vmem>> -> memref<128xi32, #tpu.memory_space<vmem>>
    %dma_wait3A_56 = arith.constant 0 : i32
    %dma_wait3A_57 = arith.constant 0 : i32
    %dma_wait3A_58 = tpu.memref_slice %arg5[%dma_wait3A_56, %dma_wait3A_57] : memref<62500x16xf32, #tpu.memory_space<hbm>> -> memref<62500x16xf32, #tpu.memory_space<hbm>>
    tpu.wait_indirect_dma semaphore(%arg12 : memref<!tpu.dma_semaphore, #tpu.memory_space<semaphore_mem>>) src(%dma_wait3A_58 : memref<62500x16xf32, #tpu.memory_space<hbm>>) dst(%dma_wait3A_52 : memref<128x16xf32, #tpu.memory_space<vmem>>)
    %dma_wait3A_59 = arith.constant 2 : i32
    %dma_wait3A_60 = arith.constant 256 : i32
    %dma_wait3A_61 = arith.constant 0 : i32
    %dma_wait3A_62 = tpu.memref_slice %arg11[%dma_wait3A_60, %dma_wait3A_61] : memref<512x16xf32, #tpu.memory_space<vmem>> -> memref<128x16xf32, #tpu.memory_space<vmem>>
    %dma_wait3A_63 = arith.constant 0 : i32
    %dma_wait3A_64 = tpu.memref_slice %arg10[%dma_wait3A_59, %dma_wait3A_63] : memref<4x128xi32, #tpu.memory_space<vmem>> -> memref<1x128xi32, #tpu.memory_space<vmem>>
    %dma_wait3A_65 = tpu.memref_squeeze %dma_wait3A_64 : memref<1x128xi32, #tpu.memory_space<vmem>> -> memref<128xi32, #tpu.memory_space<vmem>>
    %dma_wait3A_66 = arith.constant 0 : i32
    %dma_wait3A_67 = arith.constant 0 : i32
    %dma_wait3A_68 = tpu.memref_slice %arg5[%dma_wait3A_66, %dma_wait3A_67] : memref<62500x16xf32, #tpu.memory_space<hbm>> -> memref<62500x16xf32, #tpu.memory_space<hbm>>
    tpu.wait_indirect_dma semaphore(%arg12 : memref<!tpu.dma_semaphore, #tpu.memory_space<semaphore_mem>>) src(%dma_wait3A_68 : memref<62500x16xf32, #tpu.memory_space<hbm>>) dst(%dma_wait3A_62 : memref<128x16xf32, #tpu.memory_space<vmem>>)
    %dma_wait3A_69 = arith.constant 3 : i32
    %dma_wait3A_70 = arith.constant 384 : i32
    %dma_wait3A_71 = arith.constant 0 : i32
    %dma_wait3A_72 = tpu.memref_slice %arg11[%dma_wait3A_70, %dma_wait3A_71] : memref<512x16xf32, #tpu.memory_space<vmem>> -> memref<128x16xf32, #tpu.memory_space<vmem>>
    %dma_wait3A_73 = arith.constant 0 : i32
    %dma_wait3A_74 = tpu.memref_slice %arg10[%dma_wait3A_69, %dma_wait3A_73] : memref<4x128xi32, #tpu.memory_space<vmem>> -> memref<1x128xi32, #tpu.memory_space<vmem>>
    %dma_wait3A_75 = tpu.memref_squeeze %dma_wait3A_74 : memref<1x128xi32, #tpu.memory_space<vmem>> -> memref<128xi32, #tpu.memory_space<vmem>>
    %dma_wait3A_76 = arith.constant 0 : i32
    %dma_wait3A_77 = arith.constant 0 : i32
    %dma_wait3A_78 = tpu.memref_slice %arg5[%dma_wait3A_76, %dma_wait3A_77] : memref<62500x16xf32, #tpu.memory_space<hbm>> -> memref<62500x16xf32, #tpu.memory_space<hbm>>
    tpu.wait_indirect_dma semaphore(%arg12 : memref<!tpu.dma_semaphore, #tpu.memory_space<semaphore_mem>>) src(%dma_wait3A_78 : memref<62500x16xf32, #tpu.memory_space<hbm>>) dst(%dma_wait3A_72 : memref<128x16xf32, #tpu.memory_space<vmem>>)
    %mul3A_79 = arith.constant 512 : i32
    %mul3A_80 = arith.muli %add3A, %mul3A_79 : i32
    "tpu.region"() ({
      %run_scoped3A = tpu.sem_alloc : memref<!tpu.dma_semaphore, #tpu.memory_space<semaphore_mem>>
      %dma_start3A_88 = arith.constant 0 : i32
      %dma_start3A_89 = tpu.memref_slice %arg7[%mul3A_80, %dma_start3A_88] : memref<16384x16xf32, #tpu.memory_space<hbm>> -> memref<512x16xf32, #tpu.memory_space<hbm>>
      %dma_start3A_90 = arith.constant 0 : i32
      %dma_start3A_91 = tpu.memref_slice %arg7[%mul3A_80, %dma_start3A_90] : memref<16384x16xf32, #tpu.memory_space<hbm>> -> memref<512x16xf32, #tpu.memory_space<hbm>>
      tpu.enqueue_dma source(%arg11 : memref<512x16xf32, #tpu.memory_space<vmem>>) target(%dma_start3A_91 : memref<512x16xf32, #tpu.memory_space<hbm>>) target_semaphore(%run_scoped3A : memref<!tpu.dma_semaphore, #tpu.memory_space<semaphore_mem>>)
      %dma_wait3A_92 = arith.constant 0 : i32
      %dma_wait3A_93 = tpu.memref_slice %arg7[%mul3A_80, %dma_wait3A_92] : memref<16384x16xf32, #tpu.memory_space<hbm>> -> memref<512x16xf32, #tpu.memory_space<hbm>>
      %dma_wait3A_94 = arith.constant 0 : i32
      %dma_wait3A_95 = tpu.memref_slice %arg7[%mul3A_80, %dma_wait3A_94] : memref<16384x16xf32, #tpu.memory_space<hbm>> -> memref<512x16xf32, #tpu.memory_space<hbm>>
      tpu.wait_dma2 semaphore(%run_scoped3A : memref<!tpu.dma_semaphore, #tpu.memory_space<semaphore_mem>>) src(%arg11 : memref<512x16xf32, #tpu.memory_space<vmem>>) dst(%dma_wait3A_95 : memref<512x16xf32, #tpu.memory_space<hbm>>)
      tpu.yield
    }) : () -> ()
    %mul3A_81 = arith.constant 13312 : i32
    %mul3A_82 = arith.muli %add3A, %mul3A_81 : i32
    %scan3A = arith.constant 0 : i32
    %scan3A_83 = arith.constant 0 : i32
    %scan3A_84 = arith.constant 8 : i32
    %scan3A_85 = arith.addi %scan3A_83, %scan3A_84 : i32
    %scan3A_86 = arith.constant 1 : i32
    scf.for %scan3A_88 = %scan3A_83 to %scan3A_85 step %scan3A_86  : i32 {
      %mul3A_89 = arith.constant 13 : i32
      %mul3A_90 = arith.muli %scan3A_88, %mul3A_89 : i32
      %add3A_91 = arith.constant 0 : i32
      %add3A_92 = arith.addi %mul3A_90, %add3A_91 : i32
      %mul3A_93 = arith.constant 13 : i32
      %mul3A_94 = arith.muli %scan3A_88, %mul3A_93 : i32
      %add3A_95 = arith.constant 1 : i32
      %add3A_96 = arith.addi %mul3A_94, %add3A_95 : i32
      %mul3A_97 = arith.constant 13 : i32
      %mul3A_98 = arith.muli %scan3A_88, %mul3A_97 : i32
      %add3A_99 = arith.constant 2 : i32
      %add3A_100 = arith.addi %mul3A_98, %add3A_99 : i32
      %mul3A_101 = arith.constant 13 : i32
      %mul3A_102 = arith.muli %scan3A_88, %mul3A_101 : i32
      %add3A_103 = arith.constant 3 : i32
      %add3A_104 = arith.addi %mul3A_102, %add3A_103 : i32
      %mul3A_105 = arith.constant 13 : i32
      %mul3A_106 = arith.muli %scan3A_88, %mul3A_105 : i32
      %add3A_107 = arith.constant 4 : i32
      %add3A_108 = arith.addi %mul3A_106, %add3A_107 : i32
      %mul3A_109 = arith.constant 13 : i32
      %mul3A_110 = arith.muli %scan3A_88, %mul3A_109 : i32
      %add3A_111 = arith.constant 5 : i32
      %add3A_112 = arith.addi %mul3A_110, %add3A_111 : i32
      %mul3A_113 = arith.constant 13 : i32
      %mul3A_114 = arith.muli %scan3A_88, %mul3A_113 : i32
      %add3A_115 = arith.constant 6 : i32
      %add3A_116 = arith.addi %mul3A_114, %add3A_115 : i32
      %mul3A_117 = arith.constant 13 : i32
      %mul3A_118 = arith.muli %scan3A_88, %mul3A_117 : i32
      %add3A_119 = arith.constant 7 : i32
      %add3A_120 = arith.addi %mul3A_118, %add3A_119 : i32
      %mul3A_121 = arith.constant 13 : i32
      %mul3A_122 = arith.muli %scan3A_88, %mul3A_121 : i32
      %add3A_123 = arith.constant 8 : i32
      %add3A_124 = arith.addi %mul3A_122, %add3A_123 : i32
      %mul3A_125 = arith.constant 13 : i32
      %mul3A_126 = arith.muli %scan3A_88, %mul3A_125 : i32
      %add3A_127 = arith.constant 9 : i32
      %add3A_128 = arith.addi %mul3A_126, %add3A_127 : i32
      %mul3A_129 = arith.constant 13 : i32
      %mul3A_130 = arith.muli %scan3A_88, %mul3A_129 : i32
      %add3A_131 = arith.constant 10 : i32
      %add3A_132 = arith.addi %mul3A_130, %add3A_131 : i32
      %mul3A_133 = arith.constant 13 : i32
      %mul3A_134 = arith.muli %scan3A_88, %mul3A_133 : i32
      %add3A_135 = arith.constant 11 : i32
      %add3A_136 = arith.addi %mul3A_134, %add3A_135 : i32
      %mul3A_137 = arith.constant 13 : i32
      %mul3A_138 = arith.muli %scan3A_88, %mul3A_137 : i32
      %add3A_139 = arith.constant 12 : i32
      %add3A_140 = arith.addi %mul3A_138, %add3A_139 : i32
      %dma_start3A_141 = arith.constant 0 : i32
      %dma_start3A_142 = arith.constant 0 : i32
      %dma_start3A_143 = tpu.memref_slice %arg9[%dma_start3A_141, %dma_start3A_142] : memref<1664x16xf32, #tpu.memory_space<vmem>> -> memref<128x16xf32, #tpu.memory_space<vmem>>
      %dma_start3A_144 = arith.constant 0 : i32
      %dma_start3A_145 = tpu.memref_slice %arg8[%add3A_92, %dma_start3A_144] : memref<104x128xi32, #tpu.memory_space<vmem>> -> memref<1x128xi32, #tpu.memory_space<vmem>>
      %dma_start3A_146 = tpu.memref_squeeze %dma_start3A_145 : memref<1x128xi32, #tpu.memory_space<vmem>> -> memref<128xi32, #tpu.memory_space<vmem>>
      %dma_start3A_147 = arith.constant 0 : i32
      %dma_start3A_148 = arith.constant 0 : i32
      %dma_start3A_149 = tpu.memref_slice %arg4[%dma_start3A_147, %dma_start3A_148] : memref<1000000x16xf32, #tpu.memory_space<hbm>> -> memref<1000000x16xf32, #tpu.memory_space<hbm>>
      tpu.enqueue_indirect_dma source(%dma_start3A_149 : memref<1000000x16xf32, #tpu.memory_space<hbm>>) target(%dma_start3A_143 : memref<128x16xf32, #tpu.memory_space<vmem>>) offsets(%dma_start3A_146 : memref<128xi32, #tpu.memory_space<vmem>>) semaphore(%arg12 : memref<!tpu.dma_semaphore, #tpu.memory_space<semaphore_mem>>)
      %dma_start3A_150 = arith.constant 128 : i32
      %dma_start3A_151 = arith.constant 0 : i32
      %dma_start3A_152 = tpu.memref_slice %arg9[%dma_start3A_150, %dma_start3A_151] : memref<1664x16xf32, #tpu.memory_space<vmem>> -> memref<128x16xf32, #tpu.memory_space<vmem>>
      %dma_start3A_153 = arith.constant 0 : i32
      %dma_start3A_154 = tpu.memref_slice %arg8[%add3A_96, %dma_start3A_153] : memref<104x128xi32, #tpu.memory_space<vmem>> -> memref<1x128xi32, #tpu.memory_space<vmem>>
      %dma_start3A_155 = tpu.memref_squeeze %dma_start3A_154 : memref<1x128xi32, #tpu.memory_space<vmem>> -> memref<128xi32, #tpu.memory_space<vmem>>
      %dma_start3A_156 = arith.constant 0 : i32
      %dma_start3A_157 = arith.constant 0 : i32
      %dma_start3A_158 = tpu.memref_slice %arg4[%dma_start3A_156, %dma_start3A_157] : memref<1000000x16xf32, #tpu.memory_space<hbm>> -> memref<1000000x16xf32, #tpu.memory_space<hbm>>
      tpu.enqueue_indirect_dma source(%dma_start3A_158 : memref<1000000x16xf32, #tpu.memory_space<hbm>>) target(%dma_start3A_152 : memref<128x16xf32, #tpu.memory_space<vmem>>) offsets(%dma_start3A_155 : memref<128xi32, #tpu.memory_space<vmem>>) semaphore(%arg12 : memref<!tpu.dma_semaphore, #tpu.memory_space<semaphore_mem>>)
      %dma_start3A_159 = arith.constant 256 : i32
      %dma_start3A_160 = arith.constant 0 : i32
      %dma_start3A_161 = tpu.memref_slice %arg9[%dma_start3A_159, %dma_start3A_160] : memref<1664x16xf32, #tpu.memory_space<vmem>> -> memref<128x16xf32, #tpu.memory_space<vmem>>
      %dma_start3A_162 = arith.constant 0 : i32
      %dma_start3A_163 = tpu.memref_slice %arg8[%add3A_100, %dma_start3A_162] : memref<104x128xi32, #tpu.memory_space<vmem>> -> memref<1x128xi32, #tpu.memory_space<vmem>>
      %dma_start3A_164 = tpu.memref_squeeze %dma_start3A_163 : memref<1x128xi32, #tpu.memory_space<vmem>> -> memref<128xi32, #tpu.memory_space<vmem>>
      %dma_start3A_165 = arith.constant 0 : i32
      %dma_start3A_166 = arith.constant 0 : i32
      %dma_start3A_167 = tpu.memref_slice %arg4[%dma_start3A_165, %dma_start3A_166] : memref<1000000x16xf32, #tpu.memory_space<hbm>> -> memref<1000000x16xf32, #tpu.memory_space<hbm>>
      tpu.enqueue_indirect_dma source(%dma_start3A_167 : memref<1000000x16xf32, #tpu.memory_space<hbm>>) target(%dma_start3A_161 : memref<128x16xf32, #tpu.memory_space<vmem>>) offsets(%dma_start3A_164 : memref<128xi32, #tpu.memory_space<vmem>>) semaphore(%arg12 : memref<!tpu.dma_semaphore, #tpu.memory_space<semaphore_mem>>)
      %dma_start3A_168 = arith.constant 384 : i32
      %dma_start3A_169 = arith.constant 0 : i32
      %dma_start3A_170 = tpu.memref_slice %arg9[%dma_start3A_168, %dma_start3A_169] : memref<1664x16xf32, #tpu.memory_space<vmem>> -> memref<128x16xf32, #tpu.memory_space<vmem>>
      %dma_start3A_171 = arith.constant 0 : i32
      %dma_start3A_172 = tpu.memref_slice %arg8[%add3A_104, %dma_start3A_171] : memref<104x128xi32, #tpu.memory_space<vmem>> -> memref<1x128xi32, #tpu.memory_space<vmem>>
      %dma_start3A_173 = tpu.memref_squeeze %dma_start3A_172 : memref<1x128xi32, #tpu.memory_space<vmem>> -> memref<128xi32, #tpu.memory_space<vmem>>
      %dma_start3A_174 = arith.constant 0 : i32
      %dma_start3A_175 = arith.constant 0 : i32
      %dma_start3A_176 = tpu.memref_slice %arg4[%dma_start3A_174, %dma_start3A_175] : memref<1000000x16xf32, #tpu.memory_space<hbm>> -> memref<1000000x16xf32, #tpu.memory_space<hbm>>
      tpu.enqueue_indirect_dma source(%dma_start3A_176 : memref<1000000x16xf32, #tpu.memory_space<hbm>>) target(%dma_start3A_170 : memref<128x16xf32, #tpu.memory_space<vmem>>) offsets(%dma_start3A_173 : memref<128xi32, #tpu.memory_space<vmem>>) semaphore(%arg12 : memref<!tpu.dma_semaphore, #tpu.memory_space<semaphore_mem>>)
      %dma_start3A_177 = arith.constant 512 : i32
      %dma_start3A_178 = arith.constant 0 : i32
      %dma_start3A_179 = tpu.memref_slice %arg9[%dma_start3A_177, %dma_start3A_178] : memref<1664x16xf32, #tpu.memory_space<vmem>> -> memref<128x16xf32, #tpu.memory_space<vmem>>
      %dma_start3A_180 = arith.constant 0 : i32
      %dma_start3A_181 = tpu.memref_slice %arg8[%add3A_108, %dma_start3A_180] : memref<104x128xi32, #tpu.memory_space<vmem>> -> memref<1x128xi32, #tpu.memory_space<vmem>>
      %dma_start3A_182 = tpu.memref_squeeze %dma_start3A_181 : memref<1x128xi32, #tpu.memory_space<vmem>> -> memref<128xi32, #tpu.memory_space<vmem>>
      %dma_start3A_183 = arith.constant 0 : i32
      %dma_start3A_184 = arith.constant 0 : i32
      %dma_start3A_185 = tpu.memref_slice %arg4[%dma_start3A_183, %dma_start3A_184] : memref<1000000x16xf32, #tpu.memory_space<hbm>> -> memref<1000000x16xf32, #tpu.memory_space<hbm>>
      tpu.enqueue_indirect_dma source(%dma_start3A_185 : memref<1000000x16xf32, #tpu.memory_space<hbm>>) target(%dma_start3A_179 : memref<128x16xf32, #tpu.memory_space<vmem>>) offsets(%dma_start3A_182 : memref<128xi32, #tpu.memory_space<vmem>>) semaphore(%arg12 : memref<!tpu.dma_semaphore, #tpu.memory_space<semaphore_mem>>)
      %dma_start3A_186 = arith.constant 640 : i32
      %dma_start3A_187 = arith.constant 0 : i32
      %dma_start3A_188 = tpu.memref_slice %arg9[%dma_start3A_186, %dma_start3A_187] : memref<1664x16xf32, #tpu.memory_space<vmem>> -> memref<128x16xf32, #tpu.memory_space<vmem>>
      %dma_start3A_189 = arith.constant 0 : i32
      %dma_start3A_190 = tpu.memref_slice %arg8[%add3A_112, %dma_start3A_189] : memref<104x128xi32, #tpu.memory_space<vmem>> -> memref<1x128xi32, #tpu.memory_space<vmem>>
      %dma_start3A_191 = tpu.memref_squeeze %dma_start3A_190 : memref<1x128xi32, #tpu.memory_space<vmem>> -> memref<128xi32, #tpu.memory_space<vmem>>
      %dma_start3A_192 = arith.constant 0 : i32
      %dma_start3A_193 = arith.constant 0 : i32
      %dma_start3A_194 = tpu.memref_slice %arg4[%dma_start3A_192, %dma_start3A_193] : memref<1000000x16xf32, #tpu.memory_space<hbm>> -> memref<1000000x16xf32, #tpu.memory_space<hbm>>
      tpu.enqueue_indirect_dma source(%dma_start3A_194 : memref<1000000x16xf32, #tpu.memory_space<hbm>>) target(%dma_start3A_188 : memref<128x16xf32, #tpu.memory_space<vmem>>) offsets(%dma_start3A_191 : memref<128xi32, #tpu.memory_space<vmem>>) semaphore(%arg12 : memref<!tpu.dma_semaphore, #tpu.memory_space<semaphore_mem>>)
      %dma_start3A_195 = arith.constant 768 : i32
      %dma_start3A_196 = arith.constant 0 : i32
      %dma_start3A_197 = tpu.memref_slice %arg9[%dma_start3A_195, %dma_start3A_196] : memref<1664x16xf32, #tpu.memory_space<vmem>> -> memref<128x16xf32, #tpu.memory_space<vmem>>
      %dma_start3A_198 = arith.constant 0 : i32
      %dma_start3A_199 = tpu.memref_slice %arg8[%add3A_116, %dma_start3A_198] : memref<104x128xi32, #tpu.memory_space<vmem>> -> memref<1x128xi32, #tpu.memory_space<vmem>>
      %dma_start3A_200 = tpu.memref_squeeze %dma_start3A_199 : memref<1x128xi32, #tpu.memory_space<vmem>> -> memref<128xi32, #tpu.memory_space<vmem>>
      %dma_start3A_201 = arith.constant 0 : i32
      %dma_start3A_202 = arith.constant 0 : i32
      %dma_start3A_203 = tpu.memref_slice %arg4[%dma_start3A_201, %dma_start3A_202] : memref<1000000x16xf32, #tpu.memory_space<hbm>> -> memref<1000000x16xf32, #tpu.memory_space<hbm>>
      tpu.enqueue_indirect_dma source(%dma_start3A_203 : memref<1000000x16xf32, #tpu.memory_space<hbm>>) target(%dma_start3A_197 : memref<128x16xf32, #tpu.memory_space<vmem>>) offsets(%dma_start3A_200 : memref<128xi32, #tpu.memory_space<vmem>>) semaphore(%arg12 : memref<!tpu.dma_semaphore, #tpu.memory_space<semaphore_mem>>)
      %dma_start3A_204 = arith.constant 896 : i32
      %dma_start3A_205 = arith.constant 0 : i32
      %dma_start3A_206 = tpu.memref_slice %arg9[%dma_start3A_204, %dma_start3A_205] : memref<1664x16xf32, #tpu.memory_space<vmem>> -> memref<128x16xf32, #tpu.memory_space<vmem>>
      %dma_start3A_207 = arith.constant 0 : i32
      %dma_start3A_208 = tpu.memref_slice %arg8[%add3A_120, %dma_start3A_207] : memref<104x128xi32, #tpu.memory_space<vmem>> -> memref<1x128xi32, #tpu.memory_space<vmem>>
      %dma_start3A_209 = tpu.memref_squeeze %dma_start3A_208 : memref<1x128xi32, #tpu.memory_space<vmem>> -> memref<128xi32, #tpu.memory_space<vmem>>
      %dma_start3A_210 = arith.constant 0 : i32
      %dma_start3A_211 = arith.constant 0 : i32
      %dma_start3A_212 = tpu.memref_slice %arg4[%dma_start3A_210, %dma_start3A_211] : memref<1000000x16xf32, #tpu.memory_space<hbm>> -> memref<1000000x16xf32, #tpu.memory_space<hbm>>
      tpu.enqueue_indirect_dma source(%dma_start3A_212 : memref<1000000x16xf32, #tpu.memory_space<hbm>>) target(%dma_start3A_206 : memref<128x16xf32, #tpu.memory_space<vmem>>) offsets(%dma_start3A_209 : memref<128xi32, #tpu.memory_space<vmem>>) semaphore(%arg12 : memref<!tpu.dma_semaphore, #tpu.memory_space<semaphore_mem>>)
      %dma_start3A_213 = arith.constant 1024 : i32
      %dma_start3A_214 = arith.constant 0 : i32
      %dma_start3A_215 = tpu.memref_slice %arg9[%dma_start3A_213, %dma_start3A_214] : memref<1664x16xf32, #tpu.memory_space<vmem>> -> memref<128x16xf32, #tpu.memory_space<vmem>>
      %dma_start3A_216 = arith.constant 0 : i32
      %dma_start3A_217 = tpu.memref_slice %arg8[%add3A_124, %dma_start3A_216] : memref<104x128xi32, #tpu.memory_space<vmem>> -> memref<1x128xi32, #tpu.memory_space<vmem>>
      %dma_start3A_218 = tpu.memref_squeeze %dma_start3A_217 : memref<1x128xi32, #tpu.memory_space<vmem>> -> memref<128xi32, #tpu.memory_space<vmem>>
      %dma_start3A_219 = arith.constant 0 : i32
      %dma_start3A_220 = arith.constant 0 : i32
      %dma_start3A_221 = tpu.memref_slice %arg4[%dma_start3A_219, %dma_start3A_220] : memref<1000000x16xf32, #tpu.memory_space<hbm>> -> memref<1000000x16xf32, #tpu.memory_space<hbm>>
      tpu.enqueue_indirect_dma source(%dma_start3A_221 : memref<1000000x16xf32, #tpu.memory_space<hbm>>) target(%dma_start3A_215 : memref<128x16xf32, #tpu.memory_space<vmem>>) offsets(%dma_start3A_218 : memref<128xi32, #tpu.memory_space<vmem>>) semaphore(%arg12 : memref<!tpu.dma_semaphore, #tpu.memory_space<semaphore_mem>>)
      %dma_start3A_222 = arith.constant 1152 : i32
      %dma_start3A_223 = arith.constant 0 : i32
      %dma_start3A_224 = tpu.memref_slice %arg9[%dma_start3A_222, %dma_start3A_223] : memref<1664x16xf32, #tpu.memory_space<vmem>> -> memref<128x16xf32, #tpu.memory_space<vmem>>
      %dma_start3A_225 = arith.constant 0 : i32
      %dma_start3A_226 = tpu.memref_slice %arg8[%add3A_128, %dma_start3A_225] : memref<104x128xi32, #tpu.memory_space<vmem>> -> memref<1x128xi32, #tpu.memory_space<vmem>>
      %dma_start3A_227 = tpu.memref_squeeze %dma_start3A_226 : memref<1x128xi32, #tpu.memory_space<vmem>> -> memref<128xi32, #tpu.memory_space<vmem>>
      %dma_start3A_228 = arith.constant 0 : i32
      %dma_start3A_229 = arith.constant 0 : i32
      %dma_start3A_230 = tpu.memref_slice %arg4[%dma_start3A_228, %dma_start3A_229] : memref<1000000x16xf32, #tpu.memory_space<hbm>> -> memref<1000000x16xf32, #tpu.memory_space<hbm>>
      tpu.enqueue_indirect_dma source(%dma_start3A_230 : memref<1000000x16xf32, #tpu.memory_space<hbm>>) target(%dma_start3A_224 : memref<128x16xf32, #tpu.memory_space<vmem>>) offsets(%dma_start3A_227 : memref<128xi32, #tpu.memory_space<vmem>>) semaphore(%arg12 : memref<!tpu.dma_semaphore, #tpu.memory_space<semaphore_mem>>)
      %dma_start3A_231 = arith.constant 1280 : i32
      %dma_start3A_232 = arith.constant 0 : i32
      %dma_start3A_233 = tpu.memref_slice %arg9[%dma_start3A_231, %dma_start3A_232] : memref<1664x16xf32, #tpu.memory_space<vmem>> -> memref<128x16xf32, #tpu.memory_space<vmem>>
      %dma_start3A_234 = arith.constant 0 : i32
      %dma_start3A_235 = tpu.memref_slice %arg8[%add3A_132, %dma_start3A_234] : memref<104x128xi32, #tpu.memory_space<vmem>> -> memref<1x128xi32, #tpu.memory_space<vmem>>
      %dma_start3A_236 = tpu.memref_squeeze %dma_start3A_235 : memref<1x128xi32, #tpu.memory_space<vmem>> -> memref<128xi32, #tpu.memory_space<vmem>>
      %dma_start3A_237 = arith.constant 0 : i32
      %dma_start3A_238 = arith.constant 0 : i32
      %dma_start3A_239 = tpu.memref_slice %arg4[%dma_start3A_237, %dma_start3A_238] : memref<1000000x16xf32, #tpu.memory_space<hbm>> -> memref<1000000x16xf32, #tpu.memory_space<hbm>>
      tpu.enqueue_indirect_dma source(%dma_start3A_239 : memref<1000000x16xf32, #tpu.memory_space<hbm>>) target(%dma_start3A_233 : memref<128x16xf32, #tpu.memory_space<vmem>>) offsets(%dma_start3A_236 : memref<128xi32, #tpu.memory_space<vmem>>) semaphore(%arg12 : memref<!tpu.dma_semaphore, #tpu.memory_space<semaphore_mem>>)
      %dma_start3A_240 = arith.constant 1408 : i32
      %dma_start3A_241 = arith.constant 0 : i32
      %dma_start3A_242 = tpu.memref_slice %arg9[%dma_start3A_240, %dma_start3A_241] : memref<1664x16xf32, #tpu.memory_space<vmem>> -> memref<128x16xf32, #tpu.memory_space<vmem>>
      %dma_start3A_243 = arith.constant 0 : i32
      %dma_start3A_244 = tpu.memref_slice %arg8[%add3A_136, %dma_start3A_243] : memref<104x128xi32, #tpu.memory_space<vmem>> -> memref<1x128xi32, #tpu.memory_space<vmem>>
      %dma_start3A_245 = tpu.memref_squeeze %dma_start3A_244 : memref<1x128xi32, #tpu.memory_space<vmem>> -> memref<128xi32, #tpu.memory_space<vmem>>
      %dma_start3A_246 = arith.constant 0 : i32
      %dma_start3A_247 = arith.constant 0 : i32
      %dma_start3A_248 = tpu.memref_slice %arg4[%dma_start3A_246, %dma_start3A_247] : memref<1000000x16xf32, #tpu.memory_space<hbm>> -> memref<1000000x16xf32, #tpu.memory_space<hbm>>
      tpu.enqueue_indirect_dma source(%dma_start3A_248 : memref<1000000x16xf32, #tpu.memory_space<hbm>>) target(%dma_start3A_242 : memref<128x16xf32, #tpu.memory_space<vmem>>) offsets(%dma_start3A_245 : memref<128xi32, #tpu.memory_space<vmem>>) semaphore(%arg12 : memref<!tpu.dma_semaphore, #tpu.memory_space<semaphore_mem>>)
      %dma_start3A_249 = arith.constant 1536 : i32
      %dma_start3A_250 = arith.constant 0 : i32
      %dma_start3A_251 = tpu.memref_slice %arg9[%dma_start3A_249, %dma_start3A_250] : memref<1664x16xf32, #tpu.memory_space<vmem>> -> memref<128x16xf32, #tpu.memory_space<vmem>>
      %dma_start3A_252 = arith.constant 0 : i32
      %dma_start3A_253 = tpu.memref_slice %arg8[%add3A_140, %dma_start3A_252] : memref<104x128xi32, #tpu.memory_space<vmem>> -> memref<1x128xi32, #tpu.memory_space<vmem>>
      %dma_start3A_254 = tpu.memref_squeeze %dma_start3A_253 : memref<1x128xi32, #tpu.memory_space<vmem>> -> memref<128xi32, #tpu.memory_space<vmem>>
      %dma_start3A_255 = arith.constant 0 : i32
      %dma_start3A_256 = arith.constant 0 : i32
      %dma_start3A_257 = tpu.memref_slice %arg4[%dma_start3A_255, %dma_start3A_256] : memref<1000000x16xf32, #tpu.memory_space<hbm>> -> memref<1000000x16xf32, #tpu.memory_space<hbm>>
      tpu.enqueue_indirect_dma source(%dma_start3A_257 : memref<1000000x16xf32, #tpu.memory_space<hbm>>) target(%dma_start3A_251 : memref<128x16xf32, #tpu.memory_space<vmem>>) offsets(%dma_start3A_254 : memref<128xi32, #tpu.memory_space<vmem>>) semaphore(%arg12 : memref<!tpu.dma_semaphore, #tpu.memory_space<semaphore_mem>>)
      %dma_wait3A_258 = arith.constant 0 : i32
      %dma_wait3A_259 = arith.constant 0 : i32
      %dma_wait3A_260 = tpu.memref_slice %arg9[%dma_wait3A_258, %dma_wait3A_259] : memref<1664x16xf32, #tpu.memory_space<vmem>> -> memref<128x16xf32, #tpu.memory_space<vmem>>
      %dma_wait3A_261 = arith.constant 0 : i32
      %dma_wait3A_262 = tpu.memref_slice %arg8[%add3A_92, %dma_wait3A_261] : memref<104x128xi32, #tpu.memory_space<vmem>> -> memref<1x128xi32, #tpu.memory_space<vmem>>
      %dma_wait3A_263 = tpu.memref_squeeze %dma_wait3A_262 : memref<1x128xi32, #tpu.memory_space<vmem>> -> memref<128xi32, #tpu.memory_space<vmem>>
      %dma_wait3A_264 = arith.constant 0 : i32
      %dma_wait3A_265 = arith.constant 0 : i32
      %dma_wait3A_266 = tpu.memref_slice %arg4[%dma_wait3A_264, %dma_wait3A_265] : memref<1000000x16xf32, #tpu.memory_space<hbm>> -> memref<1000000x16xf32, #tpu.memory_space<hbm>>
      tpu.wait_indirect_dma semaphore(%arg12 : memref<!tpu.dma_semaphore, #tpu.memory_space<semaphore_mem>>) src(%dma_wait3A_266 : memref<1000000x16xf32, #tpu.memory_space<hbm>>) dst(%dma_wait3A_260 : memref<128x16xf32, #tpu.memory_space<vmem>>)
      %dma_wait3A_267 = arith.constant 128 : i32
      %dma_wait3A_268 = arith.constant 0 : i32
      %dma_wait3A_269 = tpu.memref_slice %arg9[%dma_wait3A_267, %dma_wait3A_268] : memref<1664x16xf32, #tpu.memory_space<vmem>> -> memref<128x16xf32, #tpu.memory_space<vmem>>
      %dma_wait3A_270 = arith.constant 0 : i32
      %dma_wait3A_271 = tpu.memref_slice %arg8[%add3A_96, %dma_wait3A_270] : memref<104x128xi32, #tpu.memory_space<vmem>> -> memref<1x128xi32, #tpu.memory_space<vmem>>
      %dma_wait3A_272 = tpu.memref_squeeze %dma_wait3A_271 : memref<1x128xi32, #tpu.memory_space<vmem>> -> memref<128xi32, #tpu.memory_space<vmem>>
      %dma_wait3A_273 = arith.constant 0 : i32
      %dma_wait3A_274 = arith.constant 0 : i32
      %dma_wait3A_275 = tpu.memref_slice %arg4[%dma_wait3A_273, %dma_wait3A_274] : memref<1000000x16xf32, #tpu.memory_space<hbm>> -> memref<1000000x16xf32, #tpu.memory_space<hbm>>
      tpu.wait_indirect_dma semaphore(%arg12 : memref<!tpu.dma_semaphore, #tpu.memory_space<semaphore_mem>>) src(%dma_wait3A_275 : memref<1000000x16xf32, #tpu.memory_space<hbm>>) dst(%dma_wait3A_269 : memref<128x16xf32, #tpu.memory_space<vmem>>)
      %dma_wait3A_276 = arith.constant 256 : i32
      %dma_wait3A_277 = arith.constant 0 : i32
      %dma_wait3A_278 = tpu.memref_slice %arg9[%dma_wait3A_276, %dma_wait3A_277] : memref<1664x16xf32, #tpu.memory_space<vmem>> -> memref<128x16xf32, #tpu.memory_space<vmem>>
      %dma_wait3A_279 = arith.constant 0 : i32
      %dma_wait3A_280 = tpu.memref_slice %arg8[%add3A_100, %dma_wait3A_279] : memref<104x128xi32, #tpu.memory_space<vmem>> -> memref<1x128xi32, #tpu.memory_space<vmem>>
      %dma_wait3A_281 = tpu.memref_squeeze %dma_wait3A_280 : memref<1x128xi32, #tpu.memory_space<vmem>> -> memref<128xi32, #tpu.memory_space<vmem>>
      %dma_wait3A_282 = arith.constant 0 : i32
      %dma_wait3A_283 = arith.constant 0 : i32
      %dma_wait3A_284 = tpu.memref_slice %arg4[%dma_wait3A_282, %dma_wait3A_283] : memref<1000000x16xf32, #tpu.memory_space<hbm>> -> memref<1000000x16xf32, #tpu.memory_space<hbm>>
      tpu.wait_indirect_dma semaphore(%arg12 : memref<!tpu.dma_semaphore, #tpu.memory_space<semaphore_mem>>) src(%dma_wait3A_284 : memref<1000000x16xf32, #tpu.memory_space<hbm>>) dst(%dma_wait3A_278 : memref<128x16xf32, #tpu.memory_space<vmem>>)
      %dma_wait3A_285 = arith.constant 384 : i32
      %dma_wait3A_286 = arith.constant 0 : i32
      %dma_wait3A_287 = tpu.memref_slice %arg9[%dma_wait3A_285, %dma_wait3A_286] : memref<1664x16xf32, #tpu.memory_space<vmem>> -> memref<128x16xf32, #tpu.memory_space<vmem>>
      %dma_wait3A_288 = arith.constant 0 : i32
      %dma_wait3A_289 = tpu.memref_slice %arg8[%add3A_104, %dma_wait3A_288] : memref<104x128xi32, #tpu.memory_space<vmem>> -> memref<1x128xi32, #tpu.memory_space<vmem>>
      %dma_wait3A_290 = tpu.memref_squeeze %dma_wait3A_289 : memref<1x128xi32, #tpu.memory_space<vmem>> -> memref<128xi32, #tpu.memory_space<vmem>>
      %dma_wait3A_291 = arith.constant 0 : i32
      %dma_wait3A_292 = arith.constant 0 : i32
      %dma_wait3A_293 = tpu.memref_slice %arg4[%dma_wait3A_291, %dma_wait3A_292] : memref<1000000x16xf32, #tpu.memory_space<hbm>> -> memref<1000000x16xf32, #tpu.memory_space<hbm>>
      tpu.wait_indirect_dma semaphore(%arg12 : memref<!tpu.dma_semaphore, #tpu.memory_space<semaphore_mem>>) src(%dma_wait3A_293 : memref<1000000x16xf32, #tpu.memory_space<hbm>>) dst(%dma_wait3A_287 : memref<128x16xf32, #tpu.memory_space<vmem>>)
      %dma_wait3A_294 = arith.constant 512 : i32
      %dma_wait3A_295 = arith.constant 0 : i32
      %dma_wait3A_296 = tpu.memref_slice %arg9[%dma_wait3A_294, %dma_wait3A_295] : memref<1664x16xf32, #tpu.memory_space<vmem>> -> memref<128x16xf32, #tpu.memory_space<vmem>>
      %dma_wait3A_297 = arith.constant 0 : i32
      %dma_wait3A_298 = tpu.memref_slice %arg8[%add3A_108, %dma_wait3A_297] : memref<104x128xi32, #tpu.memory_space<vmem>> -> memref<1x128xi32, #tpu.memory_space<vmem>>
      %dma_wait3A_299 = tpu.memref_squeeze %dma_wait3A_298 : memref<1x128xi32, #tpu.memory_space<vmem>> -> memref<128xi32, #tpu.memory_space<vmem>>
      %dma_wait3A_300 = arith.constant 0 : i32
      %dma_wait3A_301 = arith.constant 0 : i32
      %dma_wait3A_302 = tpu.memref_slice %arg4[%dma_wait3A_300, %dma_wait3A_301] : memref<1000000x16xf32, #tpu.memory_space<hbm>> -> memref<1000000x16xf32, #tpu.memory_space<hbm>>
      tpu.wait_indirect_dma semaphore(%arg12 : memref<!tpu.dma_semaphore, #tpu.memory_space<semaphore_mem>>) src(%dma_wait3A_302 : memref<1000000x16xf32, #tpu.memory_space<hbm>>) dst(%dma_wait3A_296 : memref<128x16xf32, #tpu.memory_space<vmem>>)
      %dma_wait3A_303 = arith.constant 640 : i32
      %dma_wait3A_304 = arith.constant 0 : i32
      %dma_wait3A_305 = tpu.memref_slice %arg9[%dma_wait3A_303, %dma_wait3A_304] : memref<1664x16xf32, #tpu.memory_space<vmem>> -> memref<128x16xf32, #tpu.memory_space<vmem>>
      %dma_wait3A_306 = arith.constant 0 : i32
      %dma_wait3A_307 = tpu.memref_slice %arg8[%add3A_112, %dma_wait3A_306] : memref<104x128xi32, #tpu.memory_space<vmem>> -> memref<1x128xi32, #tpu.memory_space<vmem>>
      %dma_wait3A_308 = tpu.memref_squeeze %dma_wait3A_307 : memref<1x128xi32, #tpu.memory_space<vmem>> -> memref<128xi32, #tpu.memory_space<vmem>>
      %dma_wait3A_309 = arith.constant 0 : i32
      %dma_wait3A_310 = arith.constant 0 : i32
      %dma_wait3A_311 = tpu.memref_slice %arg4[%dma_wait3A_309, %dma_wait3A_310] : memref<1000000x16xf32, #tpu.memory_space<hbm>> -> memref<1000000x16xf32, #tpu.memory_space<hbm>>
      tpu.wait_indirect_dma semaphore(%arg12 : memref<!tpu.dma_semaphore, #tpu.memory_space<semaphore_mem>>) src(%dma_wait3A_311 : memref<1000000x16xf32, #tpu.memory_space<hbm>>) dst(%dma_wait3A_305 : memref<128x16xf32, #tpu.memory_space<vmem>>)
      %dma_wait3A_312 = arith.constant 768 : i32
      %dma_wait3A_313 = arith.constant 0 : i32
      %dma_wait3A_314 = tpu.memref_slice %arg9[%dma_wait3A_312, %dma_wait3A_313] : memref<1664x16xf32, #tpu.memory_space<vmem>> -> memref<128x16xf32, #tpu.memory_space<vmem>>
      %dma_wait3A_315 = arith.constant 0 : i32
      %dma_wait3A_316 = tpu.memref_slice %arg8[%add3A_116, %dma_wait3A_315] : memref<104x128xi32, #tpu.memory_space<vmem>> -> memref<1x128xi32, #tpu.memory_space<vmem>>
      %dma_wait3A_317 = tpu.memref_squeeze %dma_wait3A_316 : memref<1x128xi32, #tpu.memory_space<vmem>> -> memref<128xi32, #tpu.memory_space<vmem>>
      %dma_wait3A_318 = arith.constant 0 : i32
      %dma_wait3A_319 = arith.constant 0 : i32
      %dma_wait3A_320 = tpu.memref_slice %arg4[%dma_wait3A_318, %dma_wait3A_319] : memref<1000000x16xf32, #tpu.memory_space<hbm>> -> memref<1000000x16xf32, #tpu.memory_space<hbm>>
      tpu.wait_indirect_dma semaphore(%arg12 : memref<!tpu.dma_semaphore, #tpu.memory_space<semaphore_mem>>) src(%dma_wait3A_320 : memref<1000000x16xf32, #tpu.memory_space<hbm>>) dst(%dma_wait3A_314 : memref<128x16xf32, #tpu.memory_space<vmem>>)
      %dma_wait3A_321 = arith.constant 896 : i32
      %dma_wait3A_322 = arith.constant 0 : i32
      %dma_wait3A_323 = tpu.memref_slice %arg9[%dma_wait3A_321, %dma_wait3A_322] : memref<1664x16xf32, #tpu.memory_space<vmem>> -> memref<128x16xf32, #tpu.memory_space<vmem>>
      %dma_wait3A_324 = arith.constant 0 : i32
      %dma_wait3A_325 = tpu.memref_slice %arg8[%add3A_120, %dma_wait3A_324] : memref<104x128xi32, #tpu.memory_space<vmem>> -> memref<1x128xi32, #tpu.memory_space<vmem>>
      %dma_wait3A_326 = tpu.memref_squeeze %dma_wait3A_325 : memref<1x128xi32, #tpu.memory_space<vmem>> -> memref<128xi32, #tpu.memory_space<vmem>>
      %dma_wait3A_327 = arith.constant 0 : i32
      %dma_wait3A_328 = arith.constant 0 : i32
      %dma_wait3A_329 = tpu.memref_slice %arg4[%dma_wait3A_327, %dma_wait3A_328] : memref<1000000x16xf32, #tpu.memory_space<hbm>> -> memref<1000000x16xf32, #tpu.memory_space<hbm>>
      tpu.wait_indirect_dma semaphore(%arg12 : memref<!tpu.dma_semaphore, #tpu.memory_space<semaphore_mem>>) src(%dma_wait3A_329 : memref<1000000x16xf32, #tpu.memory_space<hbm>>) dst(%dma_wait3A_323 : memref<128x16xf32, #tpu.memory_space<vmem>>)
      %dma_wait3A_330 = arith.constant 1024 : i32
      %dma_wait3A_331 = arith.constant 0 : i32
      %dma_wait3A_332 = tpu.memref_slice %arg9[%dma_wait3A_330, %dma_wait3A_331] : memref<1664x16xf32, #tpu.memory_space<vmem>> -> memref<128x16xf32, #tpu.memory_space<vmem>>
      %dma_wait3A_333 = arith.constant 0 : i32
      %dma_wait3A_334 = tpu.memref_slice %arg8[%add3A_124, %dma_wait3A_333] : memref<104x128xi32, #tpu.memory_space<vmem>> -> memref<1x128xi32, #tpu.memory_space<vmem>>
      %dma_wait3A_335 = tpu.memref_squeeze %dma_wait3A_334 : memref<1x128xi32, #tpu.memory_space<vmem>> -> memref<128xi32, #tpu.memory_space<vmem>>
      %dma_wait3A_336 = arith.constant 0 : i32
      %dma_wait3A_337 = arith.constant 0 : i32
      %dma_wait3A_338 = tpu.memref_slice %arg4[%dma_wait3A_336, %dma_wait3A_337] : memref<1000000x16xf32, #tpu.memory_space<hbm>> -> memref<1000000x16xf32, #tpu.memory_space<hbm>>
      tpu.wait_indirect_dma semaphore(%arg12 : memref<!tpu.dma_semaphore, #tpu.memory_space<semaphore_mem>>) src(%dma_wait3A_338 : memref<1000000x16xf32, #tpu.memory_space<hbm>>) dst(%dma_wait3A_332 : memref<128x16xf32, #tpu.memory_space<vmem>>)
      %dma_wait3A_339 = arith.constant 1152 : i32
      %dma_wait3A_340 = arith.constant 0 : i32
      %dma_wait3A_341 = tpu.memref_slice %arg9[%dma_wait3A_339, %dma_wait3A_340] : memref<1664x16xf32, #tpu.memory_space<vmem>> -> memref<128x16xf32, #tpu.memory_space<vmem>>
      %dma_wait3A_342 = arith.constant 0 : i32
      %dma_wait3A_343 = tpu.memref_slice %arg8[%add3A_128, %dma_wait3A_342] : memref<104x128xi32, #tpu.memory_space<vmem>> -> memref<1x128xi32, #tpu.memory_space<vmem>>
      %dma_wait3A_344 = tpu.memref_squeeze %dma_wait3A_343 : memref<1x128xi32, #tpu.memory_space<vmem>> -> memref<128xi32, #tpu.memory_space<vmem>>
      %dma_wait3A_345 = arith.constant 0 : i32
      %dma_wait3A_346 = arith.constant 0 : i32
      %dma_wait3A_347 = tpu.memref_slice %arg4[%dma_wait3A_345, %dma_wait3A_346] : memref<1000000x16xf32, #tpu.memory_space<hbm>> -> memref<1000000x16xf32, #tpu.memory_space<hbm>>
      tpu.wait_indirect_dma semaphore(%arg12 : memref<!tpu.dma_semaphore, #tpu.memory_space<semaphore_mem>>) src(%dma_wait3A_347 : memref<1000000x16xf32, #tpu.memory_space<hbm>>) dst(%dma_wait3A_341 : memref<128x16xf32, #tpu.memory_space<vmem>>)
      %dma_wait3A_348 = arith.constant 1280 : i32
      %dma_wait3A_349 = arith.constant 0 : i32
      %dma_wait3A_350 = tpu.memref_slice %arg9[%dma_wait3A_348, %dma_wait3A_349] : memref<1664x16xf32, #tpu.memory_space<vmem>> -> memref<128x16xf32, #tpu.memory_space<vmem>>
      %dma_wait3A_351 = arith.constant 0 : i32
      %dma_wait3A_352 = tpu.memref_slice %arg8[%add3A_132, %dma_wait3A_351] : memref<104x128xi32, #tpu.memory_space<vmem>> -> memref<1x128xi32, #tpu.memory_space<vmem>>
      %dma_wait3A_353 = tpu.memref_squeeze %dma_wait3A_352 : memref<1x128xi32, #tpu.memory_space<vmem>> -> memref<128xi32, #tpu.memory_space<vmem>>
      %dma_wait3A_354 = arith.constant 0 : i32
      %dma_wait3A_355 = arith.constant 0 : i32
      %dma_wait3A_356 = tpu.memref_slice %arg4[%dma_wait3A_354, %dma_wait3A_355] : memref<1000000x16xf32, #tpu.memory_space<hbm>> -> memref<1000000x16xf32, #tpu.memory_space<hbm>>
      tpu.wait_indirect_dma semaphore(%arg12 : memref<!tpu.dma_semaphore, #tpu.memory_space<semaphore_mem>>) src(%dma_wait3A_356 : memref<1000000x16xf32, #tpu.memory_space<hbm>>) dst(%dma_wait3A_350 : memref<128x16xf32, #tpu.memory_space<vmem>>)
      %dma_wait3A_357 = arith.constant 1408 : i32
      %dma_wait3A_358 = arith.constant 0 : i32
      %dma_wait3A_359 = tpu.memref_slice %arg9[%dma_wait3A_357, %dma_wait3A_358] : memref<1664x16xf32, #tpu.memory_space<vmem>> -> memref<128x16xf32, #tpu.memory_space<vmem>>
      %dma_wait3A_360 = arith.constant 0 : i32
      %dma_wait3A_361 = tpu.memref_slice %arg8[%add3A_136, %dma_wait3A_360] : memref<104x128xi32, #tpu.memory_space<vmem>> -> memref<1x128xi32, #tpu.memory_space<vmem>>
      %dma_wait3A_362 = tpu.memref_squeeze %dma_wait3A_361 : memref<1x128xi32, #tpu.memory_space<vmem>> -> memref<128xi32, #tpu.memory_space<vmem>>
      %dma_wait3A_363 = arith.constant 0 : i32
      %dma_wait3A_364 = arith.constant 0 : i32
      %dma_wait3A_365 = tpu.memref_slice %arg4[%dma_wait3A_363, %dma_wait3A_364] : memref<1000000x16xf32, #tpu.memory_space<hbm>> -> memref<1000000x16xf32, #tpu.memory_space<hbm>>
      tpu.wait_indirect_dma semaphore(%arg12 : memref<!tpu.dma_semaphore, #tpu.memory_space<semaphore_mem>>) src(%dma_wait3A_365 : memref<1000000x16xf32, #tpu.memory_space<hbm>>) dst(%dma_wait3A_359 : memref<128x16xf32, #tpu.memory_space<vmem>>)
      %dma_wait3A_366 = arith.constant 1536 : i32
      %dma_wait3A_367 = arith.constant 0 : i32
      %dma_wait3A_368 = tpu.memref_slice %arg9[%dma_wait3A_366, %dma_wait3A_367] : memref<1664x16xf32, #tpu.memory_space<vmem>> -> memref<128x16xf32, #tpu.memory_space<vmem>>
      %dma_wait3A_369 = arith.constant 0 : i32
      %dma_wait3A_370 = tpu.memref_slice %arg8[%add3A_140, %dma_wait3A_369] : memref<104x128xi32, #tpu.memory_space<vmem>> -> memref<1x128xi32, #tpu.memory_space<vmem>>
      %dma_wait3A_371 = tpu.memref_squeeze %dma_wait3A_370 : memref<1x128xi32, #tpu.memory_space<vmem>> -> memref<128xi32, #tpu.memory_space<vmem>>
      %dma_wait3A_372 = arith.constant 0 : i32
      %dma_wait3A_373 = arith.constant 0 : i32
      %dma_wait3A_374 = tpu.memref_slice %arg4[%dma_wait3A_372, %dma_wait3A_373] : memref<1000000x16xf32, #tpu.memory_space<hbm>> -> memref<1000000x16xf32, #tpu.memory_space<hbm>>
      tpu.wait_indirect_dma semaphore(%arg12 : memref<!tpu.dma_semaphore, #tpu.memory_space<semaphore_mem>>) src(%dma_wait3A_374 : memref<1000000x16xf32, #tpu.memory_space<hbm>>) dst(%dma_wait3A_368 : memref<128x16xf32, #tpu.memory_space<vmem>>)
      %mul3A_375 = arith.constant 1664 : i32
      %mul3A_376 = arith.muli %scan3A_88, %mul3A_375 : i32
      %add3A_377 = arith.addi %mul3A_82, %mul3A_376 : i32
      "tpu.region"() ({
        %run_scoped3A = tpu.sem_alloc : memref<!tpu.dma_semaphore, #tpu.memory_space<semaphore_mem>>
        %dma_start3A_378 = arith.constant 0 : i32
        %dma_start3A_379 = tpu.memref_slice %arg6[%add3A_377, %dma_start3A_378] : memref<425984x16xf32, #tpu.memory_space<hbm>> -> memref<1664x16xf32, #tpu.memory_space<hbm>>
        %dma_start3A_380 = arith.constant 0 : i32
        %dma_start3A_381 = tpu.memref_slice %arg6[%add3A_377, %dma_start3A_380] : memref<425984x16xf32, #tpu.memory_space<hbm>> -> memref<1664x16xf32, #tpu.memory_space<hbm>>
        tpu.enqueue_dma source(%arg9 : memref<1664x16xf32, #tpu.memory_space<vmem>>) target(%dma_start3A_381 : memref<1664x16xf32, #tpu.memory_space<hbm>>) target_semaphore(%run_scoped3A : memref<!tpu.dma_semaphore, #tpu.memory_space<semaphore_mem>>)
        %dma_wait3A_382 = arith.constant 0 : i32
        %dma_wait3A_383 = tpu.memref_slice %arg6[%add3A_377, %dma_wait3A_382] : memref<425984x16xf32, #tpu.memory_space<hbm>> -> memref<1664x16xf32, #tpu.memory_space<hbm>>
        %dma_wait3A_384 = arith.constant 0 : i32
        %dma_wait3A_385 = tpu.memref_slice %arg6[%add3A_377, %dma_wait3A_384] : memref<425984x16xf32, #tpu.memory_space<hbm>> -> memref<1664x16xf32, #tpu.memory_space<hbm>>
        tpu.wait_dma2 semaphore(%run_scoped3A : memref<!tpu.dma_semaphore, #tpu.memory_space<semaphore_mem>>) src(%arg9 : memref<1664x16xf32, #tpu.memory_space<vmem>>) dst(%dma_wait3A_385 : memref<1664x16xf32, #tpu.memory_space<hbm>>)
        tpu.yield
      }) : () -> ()
    }
    %scan3A_87 = arith.constant 8 : i32
    return
  }
}

module attributes {stable_mosaic.version = 14 : i64} {
  func.func @_tp_body(%arg0: i32, %arg1: memref<10x32768xf32, #tpu.memory_space<vmem>>, %arg2: memref<4096x128xf32, #tpu.memory_space<vmem>>) attributes {dimension_semantics = [#tpu.dimension_semantics<arbitrary>], iteration_bounds = array<i64: 31>, scalar_prefetch = 0 : i64, scratch_operands = 0 : i64, tpu.core_type = #tpu.core_type<tc>, window_params = [{transform_indices = @transform_0, window_bounds = array<i64: 10, 32768>}, {transform_indices = @transform_1, window_bounds = array<i64: 4096, 128>}]} {
    %get3A = arith.constant 0 : index
    %get3A_0 = arith.constant 0 : index
    %get3A_1 = vector.load %arg1[%get3A, %get3A_0] : memref<10x32768xf32, #tpu.memory_space<vmem>>, vector<10x32768xf32>
    %transpose3A = tpu.transpose %get3A_1, [1, 0] : vector<10x32768xf32> -> vector<32768x10xf32>
    %broadcast_in_dim3A = arith.constant 0.000000e+00 : f32
    %broadcast_in_dim3A_2 = vector.broadcast %broadcast_in_dim3A : f32 to vector<4096x6xf32>
    %reshape3A = vector.shape_cast %transpose3A : vector<32768x10xf32> to vector<4096x8x10xf32>
    %slice3A = vector.extract_strided_slice %reshape3A {offsets = [0, 0, 0], sizes = [4096, 1, 10], strides = [1, 1, 1]} : vector<4096x8x10xf32> to vector<4096x1x10xf32>
    %squeeze3A = vector.shape_cast %slice3A : vector<4096x1x10xf32> to vector<4096x10xf32>
    %swap3A = arith.constant 0 : index
    %swap3A_3 = arith.constant 0 : index
    %swap3A_4 = vector.load %arg2[%swap3A, %swap3A_3] : memref<4096x128xf32, #tpu.memory_space<vmem>>, vector<4096x10xf32>
    tpu.vector_store %arg2[%swap3A, %swap3A_3], %squeeze3A {strides = array<i32>} : memref<4096x128xf32, #tpu.memory_space<vmem>>, vector<4096x10xf32>,
    %swap3A_5 = arith.constant 0 : index
    %swap3A_6 = arith.constant 10 : index
    %swap3A_7 = vector.load %arg2[%swap3A_5, %swap3A_6] : memref<4096x128xf32, #tpu.memory_space<vmem>>, vector<4096x6xf32>
    tpu.vector_store %arg2[%swap3A_5, %swap3A_6], %broadcast_in_dim3A_2 {strides = array<i32>} : memref<4096x128xf32, #tpu.memory_space<vmem>>, vector<4096x6xf32>,
    %slice3A_8 = vector.extract_strided_slice %reshape3A {offsets = [0, 1, 0], sizes = [4096, 1, 10], strides = [1, 1, 1]} : vector<4096x8x10xf32> to vector<4096x1x10xf32>
    %squeeze3A_9 = vector.shape_cast %slice3A_8 : vector<4096x1x10xf32> to vector<4096x10xf32>
    %swap3A_10 = arith.constant 0 : index
    %swap3A_11 = arith.constant 16 : index
    %swap3A_12 = vector.load %arg2[%swap3A_10, %swap3A_11] : memref<4096x128xf32, #tpu.memory_space<vmem>>, vector<4096x10xf32>
    tpu.vector_store %arg2[%swap3A_10, %swap3A_11], %squeeze3A_9 {strides = array<i32>} : memref<4096x128xf32, #tpu.memory_space<vmem>>, vector<4096x10xf32>,
    %swap3A_13 = arith.constant 0 : index
    %swap3A_14 = arith.constant 26 : index
    %swap3A_15 = vector.load %arg2[%swap3A_13, %swap3A_14] : memref<4096x128xf32, #tpu.memory_space<vmem>>, vector<4096x6xf32>
    tpu.vector_store %arg2[%swap3A_13, %swap3A_14], %broadcast_in_dim3A_2 {strides = array<i32>} : memref<4096x128xf32, #tpu.memory_space<vmem>>, vector<4096x6xf32>,
    %slice3A_16 = vector.extract_strided_slice %reshape3A {offsets = [0, 2, 0], sizes = [4096, 1, 10], strides = [1, 1, 1]} : vector<4096x8x10xf32> to vector<4096x1x10xf32>
    %squeeze3A_17 = vector.shape_cast %slice3A_16 : vector<4096x1x10xf32> to vector<4096x10xf32>
    %swap3A_18 = arith.constant 0 : index
    %swap3A_19 = arith.constant 32 : index
    %swap3A_20 = vector.load %arg2[%swap3A_18, %swap3A_19] : memref<4096x128xf32, #tpu.memory_space<vmem>>, vector<4096x10xf32>
    tpu.vector_store %arg2[%swap3A_18, %swap3A_19], %squeeze3A_17 {strides = array<i32>} : memref<4096x128xf32, #tpu.memory_space<vmem>>, vector<4096x10xf32>,
    %swap3A_21 = arith.constant 0 : index
    %swap3A_22 = arith.constant 42 : index
    %swap3A_23 = vector.load %arg2[%swap3A_21, %swap3A_22] : memref<4096x128xf32, #tpu.memory_space<vmem>>, vector<4096x6xf32>
    tpu.vector_store %arg2[%swap3A_21, %swap3A_22], %broadcast_in_dim3A_2 {strides = array<i32>} : memref<4096x128xf32, #tpu.memory_space<vmem>>, vector<4096x6xf32>,
    %slice3A_24 = vector.extract_strided_slice %reshape3A {offsets = [0, 3, 0], sizes = [4096, 1, 10], strides = [1, 1, 1]} : vector<4096x8x10xf32> to vector<4096x1x10xf32>
    %squeeze3A_25 = vector.shape_cast %slice3A_24 : vector<4096x1x10xf32> to vector<4096x10xf32>
    %swap3A_26 = arith.constant 0 : index
    %swap3A_27 = arith.constant 48 : index
    %swap3A_28 = vector.load %arg2[%swap3A_26, %swap3A_27] : memref<4096x128xf32, #tpu.memory_space<vmem>>, vector<4096x10xf32>
    tpu.vector_store %arg2[%swap3A_26, %swap3A_27], %squeeze3A_25 {strides = array<i32>} : memref<4096x128xf32, #tpu.memory_space<vmem>>, vector<4096x10xf32>,
    %swap3A_29 = arith.constant 0 : index
    %swap3A_30 = arith.constant 58 : index
    %swap3A_31 = vector.load %arg2[%swap3A_29, %swap3A_30] : memref<4096x128xf32, #tpu.memory_space<vmem>>, vector<4096x6xf32>
    tpu.vector_store %arg2[%swap3A_29, %swap3A_30], %broadcast_in_dim3A_2 {strides = array<i32>} : memref<4096x128xf32, #tpu.memory_space<vmem>>, vector<4096x6xf32>,
    %slice3A_32 = vector.extract_strided_slice %reshape3A {offsets = [0, 4, 0], sizes = [4096, 1, 10], strides = [1, 1, 1]} : vector<4096x8x10xf32> to vector<4096x1x10xf32>
    %squeeze3A_33 = vector.shape_cast %slice3A_32 : vector<4096x1x10xf32> to vector<4096x10xf32>
    %swap3A_34 = arith.constant 0 : index
    %swap3A_35 = arith.constant 64 : index
    %swap3A_36 = vector.load %arg2[%swap3A_34, %swap3A_35] : memref<4096x128xf32, #tpu.memory_space<vmem>>, vector<4096x10xf32>
    tpu.vector_store %arg2[%swap3A_34, %swap3A_35], %squeeze3A_33 {strides = array<i32>} : memref<4096x128xf32, #tpu.memory_space<vmem>>, vector<4096x10xf32>,
    %swap3A_37 = arith.constant 0 : index
    %swap3A_38 = arith.constant 74 : index
    %swap3A_39 = vector.load %arg2[%swap3A_37, %swap3A_38] : memref<4096x128xf32, #tpu.memory_space<vmem>>, vector<4096x6xf32>
    tpu.vector_store %arg2[%swap3A_37, %swap3A_38], %broadcast_in_dim3A_2 {strides = array<i32>} : memref<4096x128xf32, #tpu.memory_space<vmem>>, vector<4096x6xf32>,
    %slice3A_40 = vector.extract_strided_slice %reshape3A {offsets = [0, 5, 0], sizes = [4096, 1, 10], strides = [1, 1, 1]} : vector<4096x8x10xf32> to vector<4096x1x10xf32>
    %squeeze3A_41 = vector.shape_cast %slice3A_40 : vector<4096x1x10xf32> to vector<4096x10xf32>
    %swap3A_42 = arith.constant 0 : index
    %swap3A_43 = arith.constant 80 : index
    %swap3A_44 = vector.load %arg2[%swap3A_42, %swap3A_43] : memref<4096x128xf32, #tpu.memory_space<vmem>>, vector<4096x10xf32>
    tpu.vector_store %arg2[%swap3A_42, %swap3A_43], %squeeze3A_41 {strides = array<i32>} : memref<4096x128xf32, #tpu.memory_space<vmem>>, vector<4096x10xf32>,
    %swap3A_45 = arith.constant 0 : index
    %swap3A_46 = arith.constant 90 : index
    %swap3A_47 = vector.load %arg2[%swap3A_45, %swap3A_46] : memref<4096x128xf32, #tpu.memory_space<vmem>>, vector<4096x6xf32>
    tpu.vector_store %arg2[%swap3A_45, %swap3A_46], %broadcast_in_dim3A_2 {strides = array<i32>} : memref<4096x128xf32, #tpu.memory_space<vmem>>, vector<4096x6xf32>,
    %slice3A_48 = vector.extract_strided_slice %reshape3A {offsets = [0, 6, 0], sizes = [4096, 1, 10], strides = [1, 1, 1]} : vector<4096x8x10xf32> to vector<4096x1x10xf32>
    %squeeze3A_49 = vector.shape_cast %slice3A_48 : vector<4096x1x10xf32> to vector<4096x10xf32>
    %swap3A_50 = arith.constant 0 : index
    %swap3A_51 = arith.constant 96 : index
    %swap3A_52 = vector.load %arg2[%swap3A_50, %swap3A_51] : memref<4096x128xf32, #tpu.memory_space<vmem>>, vector<4096x10xf32>
    tpu.vector_store %arg2[%swap3A_50, %swap3A_51], %squeeze3A_49 {strides = array<i32>} : memref<4096x128xf32, #tpu.memory_space<vmem>>, vector<4096x10xf32>,
    %swap3A_53 = arith.constant 0 : index
    %swap3A_54 = arith.constant 106 : index
    %swap3A_55 = vector.load %arg2[%swap3A_53, %swap3A_54] : memref<4096x128xf32, #tpu.memory_space<vmem>>, vector<4096x6xf32>
    tpu.vector_store %arg2[%swap3A_53, %swap3A_54], %broadcast_in_dim3A_2 {strides = array<i32>} : memref<4096x128xf32, #tpu.memory_space<vmem>>, vector<4096x6xf32>,
    %slice3A_56 = vector.extract_strided_slice %reshape3A {offsets = [0, 7, 0], sizes = [4096, 1, 10], strides = [1, 1, 1]} : vector<4096x8x10xf32> to vector<4096x1x10xf32>
    %squeeze3A_57 = vector.shape_cast %slice3A_56 : vector<4096x1x10xf32> to vector<4096x10xf32>
    %swap3A_58 = arith.constant 0 : index
    %swap3A_59 = arith.constant 112 : index
    %swap3A_60 = vector.load %arg2[%swap3A_58, %swap3A_59] : memref<4096x128xf32, #tpu.memory_space<vmem>>, vector<4096x10xf32>
    tpu.vector_store %arg2[%swap3A_58, %swap3A_59], %squeeze3A_57 {strides = array<i32>} : memref<4096x128xf32, #tpu.memory_space<vmem>>, vector<4096x10xf32>,
    %swap3A_61 = arith.constant 0 : index
    %swap3A_62 = arith.constant 122 : index
    %swap3A_63 = vector.load %arg2[%swap3A_61, %swap3A_62] : memref<4096x128xf32, #tpu.memory_space<vmem>>, vector<4096x6xf32>
    tpu.vector_store %arg2[%swap3A_61, %swap3A_62], %broadcast_in_dim3A_2 {strides = array<i32>} : memref<4096x128xf32, #tpu.memory_space<vmem>>, vector<4096x6xf32>,
    return
  }
  func.func @transform_0(%arg0: i32) -> (i32, i32) {
    %c0_i32 = arith.constant 0 : i32
    %c0_i32_0 = arith.constant 0 : i32
    return %c0_i32, %arg0 : i32, i32
  }
  func.func @transform_1(%arg0: i32) -> (i32, i32) {
    %c0_i32 = arith.constant 0 : i32
    %c0_i32_0 = arith.constant 0 : i32
    return %arg0, %c0_i32 : i32, i32
  }
}

module attributes {stable_mosaic.version = 14 : i64} {
  func.func @_mlp_body(%arg0: i32, %arg1: i32, %arg2: memref<1024x416xf32, #tpu.memory_space<vmem>>, %arg3: memref<1024x16xf32, #tpu.memory_space<vmem>>, %arg4: memref<1024x1xi32, #tpu.memory_space<vmem>>, %arg5: memref<416x1024xbf16, #tpu.memory_space<vmem>>, %arg6: memref<1x1024xf32, #tpu.memory_space<vmem>>, %arg7: memref<1024x512xbf16, #tpu.memory_space<vmem>>, %arg8: memref<1x512xf32, #tpu.memory_space<vmem>>, %arg9: memref<512x256xbf16, #tpu.memory_space<vmem>>, %arg10: memref<1x256xf32, #tpu.memory_space<vmem>>, %arg11: memref<256x1xbf16, #tpu.memory_space<vmem>>, %arg12: memref<1x1xf32, #tpu.memory_space<vmem>>, %arg13: memref<1024x1xf32, #tpu.memory_space<vmem>>, %arg14: memref<2x416xf32, #tpu.memory_space<vmem>>) attributes {dimension_semantics = [#tpu.dimension_semantics<arbitrary>, #tpu.dimension_semantics<arbitrary>], iteration_bounds = array<i64: 2, 16>, scalar_prefetch = 0 : i64, scratch_operands = 1 : i64, tpu.core_type = #tpu.core_type<tc>, window_params = [{transform_indices = @transform_0, window_bounds = array<i64: 1024, 416>}, {transform_indices = @transform_1, window_bounds = array<i64: 1024, 16>}, {transform_indices = @transform_2, window_bounds = array<i64: 1024, 1>}, {pipeline_mode = #tpu.pipeline_mode<synchronous>, transform_indices = @transform_3, window_bounds = array<i64: 416, 1024>}, {pipeline_mode = #tpu.pipeline_mode<synchronous>, transform_indices = @transform_4, window_bounds = array<i64: 1, 1024>}, {pipeline_mode = #tpu.pipeline_mode<synchronous>, transform_indices = @transform_5, window_bounds = array<i64: 1024, 512>}, {pipeline_mode = #tpu.pipeline_mode<synchronous>, transform_indices = @transform_6, window_bounds = array<i64: 1, 512>}, {pipeline_mode = #tpu.pipeline_mode<synchronous>, transform_indices = @transform_7, window_bounds = array<i64: 512, 256>}, {pipeline_mode = #tpu.pipeline_mode<synchronous>, transform_indices = @transform_8, window_bounds = array<i64: 1, 256>}, {pipeline_mode = #tpu.pipeline_mode<synchronous>, transform_indices = @transform_9, window_bounds = array<i64: 256, 1>}, {pipeline_mode = #tpu.pipeline_mode<synchronous>, transform_indices = @transform_10, window_bounds = array<i64: 1, 1>}, {transform_indices = @transform_11, window_bounds = array<i64: 1024, 1>}]} {
    %eq3A = arith.constant 0 : i32
    %eq3A_0 = arith.cmpi eq, %arg0, %eq3A : i32
    %convert_element_type3A = arith.extui %eq3A_0 : i1 to i32
    %cond3A = arith.constant 0 : i32
    %cond3A_1 = arith.cmpi ne, %convert_element_type3A, %cond3A : i32
    scf.if %cond3A_1 {
      %get3A = arith.constant 0 : index
      %get3A_7 = arith.constant 0 : index
      %get3A_8 = vector.load %arg2[%get3A, %get3A_7] : memref<1024x416xf32, #tpu.memory_space<vmem>>, vector<1024x416xf32>
      %reduce_sum3A = arith.constant dense<0.000000e+00> : vector<416xf32>
      %reduce_sum3A_9 = vector.multi_reduction <add>, %get3A_8, %reduce_sum3A [0] : vector<1024x416xf32> to vector<416xf32>
      %broadcast_in_dim3A = vector.shape_cast %reduce_sum3A_9 : vector<416xf32> to vector<1x416xf32>
      %mul3A = arith.mulf %get3A_8, %get3A_8 : vector<1024x416xf32>
      %reduce_sum3A_10 = arith.constant dense<0.000000e+00> : vector<416xf32>
      %reduce_sum3A_11 = vector.multi_reduction <add>, %mul3A, %reduce_sum3A_10 [0] : vector<1024x416xf32> to vector<416xf32>
      %broadcast_in_dim3A_12 = vector.shape_cast %reduce_sum3A_11 : vector<416xf32> to vector<1x416xf32>
      %eq3A_13 = arith.constant 0 : i32
      %eq3A_14 = arith.cmpi eq, %arg1, %eq3A_13 : i32
      %convert_element_type3A_15 = arith.extui %eq3A_14 : i1 to i32
      %cond3A_16 = arith.constant 0 : i32
      %cond3A_17 = arith.cmpi ne, %convert_element_type3A_15, %cond3A_16 : i32
      scf.if %cond3A_17 {
        %swap3A = arith.constant 0 : index
        %swap3A_27 = arith.constant 0 : index
        %swap3A_28 = vector.load %arg14[%swap3A, %swap3A_27] : memref<2x416xf32, #tpu.memory_space<vmem>>, vector<1x416xf32>
        tpu.vector_store %arg14[%swap3A, %swap3A_27], %broadcast_in_dim3A {strides = array<i32>} : memref<2x416xf32, #tpu.memory_space<vmem>>, vector<1x416xf32>,
        %swap3A_29 = arith.constant 1 : index
        %swap3A_30 = arith.constant 0 : index
        %swap3A_31 = vector.load %arg14[%swap3A_29, %swap3A_30] : memref<2x416xf32, #tpu.memory_space<vmem>>, vector<1x416xf32>
        tpu.vector_store %arg14[%swap3A_29, %swap3A_30], %broadcast_in_dim3A_12 {strides = array<i32>} : memref<2x416xf32, #tpu.memory_space<vmem>>, vector<1x416xf32>,
      } else {
      }
      %gt3A = arith.constant 0 : i32
      %gt3A_18 = arith.cmpi sgt, %arg1, %gt3A : i32
      %convert_element_type3A_19 = arith.extui %gt3A_18 : i1 to i32
      %cond3A_20 = arith.constant 0 : i32
      %cond3A_21 = arith.cmpi ne, %convert_element_type3A_19, %cond3A_20 : i32
      scf.if %cond3A_21 {
        %get3A_27 = arith.constant 0 : index
        %get3A_28 = arith.constant 0 : index
        %get3A_29 = vector.load %arg14[%get3A_27, %get3A_28] : memref<2x416xf32, #tpu.memory_space<vmem>>, vector<1x416xf32>
        %add3A = arith.addf %get3A_29, %broadcast_in_dim3A : vector<1x416xf32>
        %swap3A = arith.constant 0 : index
        %swap3A_30 = arith.constant 0 : index
        %swap3A_31 = vector.load %arg14[%swap3A, %swap3A_30] : memref<2x416xf32, #tpu.memory_space<vmem>>, vector<1x416xf32>
        tpu.vector_store %arg14[%swap3A, %swap3A_30], %add3A {strides = array<i32>} : memref<2x416xf32, #tpu.memory_space<vmem>>, vector<1x416xf32>,
        %get3A_32 = arith.constant 1 : index
        %get3A_33 = arith.constant 0 : index
        %get3A_34 = vector.load %arg14[%get3A_32, %get3A_33] : memref<2x416xf32, #tpu.memory_space<vmem>>, vector<1x416xf32>
        %add3A_35 = arith.addf %get3A_34, %broadcast_in_dim3A_12 : vector<1x416xf32>
        %swap3A_36 = arith.constant 1 : index
        %swap3A_37 = arith.constant 0 : index
        %swap3A_38 = vector.load %arg14[%swap3A_36, %swap3A_37] : memref<2x416xf32, #tpu.memory_space<vmem>>, vector<1x416xf32>
        tpu.vector_store %arg14[%swap3A_36, %swap3A_37], %add3A_35 {strides = array<i32>} : memref<2x416xf32, #tpu.memory_space<vmem>>, vector<1x416xf32>,
      } else {
      }
      %eq3A_22 = arith.constant 15 : i32
      %eq3A_23 = arith.cmpi eq, %arg1, %eq3A_22 : i32
      %convert_element_type3A_24 = arith.extui %eq3A_23 : i1 to i32
      %cond3A_25 = arith.constant 0 : i32
      %cond3A_26 = arith.cmpi ne, %convert_element_type3A_24, %cond3A_25 : i32
      scf.if %cond3A_26 {
        %get3A_27 = arith.constant 0 : index
        %get3A_28 = arith.constant 0 : index
        %get3A_29 = vector.load %arg14[%get3A_27, %get3A_28] : memref<2x416xf32, #tpu.memory_space<vmem>>, vector<1x416xf32>
        %mul3A_30 = arith.constant 6.10351563E-5 : f32
        %mul3A_31 = vector.broadcast %mul3A_30 : f32 to vector<1x416xf32>
        %mul3A_32 = arith.mulf %get3A_29, %mul3A_31 : vector<1x416xf32>
        %get3A_33 = arith.constant 1 : index
        %get3A_34 = arith.constant 0 : index
        %get3A_35 = vector.load %arg14[%get3A_33, %get3A_34] : memref<2x416xf32, #tpu.memory_space<vmem>>, vector<1x416xf32>
        %mul3A_36 = arith.constant 6.10351563E-5 : f32
        %mul3A_37 = vector.broadcast %mul3A_36 : f32 to vector<1x416xf32>
        %mul3A_38 = arith.mulf %get3A_35, %mul3A_37 : vector<1x416xf32>
        %mul3A_39 = arith.mulf %mul3A_32, %mul3A_32 : vector<1x416xf32>
        %sub3A = arith.subf %mul3A_38, %mul3A_39 : vector<1x416xf32>
        %swap3A = arith.constant 0 : index
        %swap3A_40 = arith.constant 0 : index
        %swap3A_41 = vector.load %arg14[%swap3A, %swap3A_40] : memref<2x416xf32, #tpu.memory_space<vmem>>, vector<1x416xf32>
        tpu.vector_store %arg14[%swap3A, %swap3A_40], %mul3A_32 {strides = array<i32>} : memref<2x416xf32, #tpu.memory_space<vmem>>, vector<1x416xf32>,
        %add3A = arith.constant 9.99999974E-6 : f32
        %add3A_42 = vector.broadcast %add3A : f32 to vector<1x416xf32>
        %add3A_43 = arith.addf %sub3A, %add3A_42 : vector<1x416xf32>
        %rsqrt3A = math.rsqrt %add3A_43 : vector<1x416xf32>
        %swap3A_44 = arith.constant 1 : index
        %swap3A_45 = arith.constant 0 : index
        %swap3A_46 = vector.load %arg14[%swap3A_44, %swap3A_45] : memref<2x416xf32, #tpu.memory_space<vmem>>, vector<1x416xf32>
        tpu.vector_store %arg14[%swap3A_44, %swap3A_45], %rsqrt3A {strides = array<i32>} : memref<2x416xf32, #tpu.memory_space<vmem>>, vector<1x416xf32>,
      } else {
      }
    } else {
    }
    %eq3A_2 = arith.constant 1 : i32
    %eq3A_3 = arith.cmpi eq, %arg0, %eq3A_2 : i32
    %convert_element_type3A_4 = arith.extui %eq3A_3 : i1 to i32
    %cond3A_5 = arith.constant 0 : i32
    %cond3A_6 = arith.cmpi ne, %convert_element_type3A_4, %cond3A_5 : i32
    scf.if %cond3A_6 {
      %get3A = arith.constant 0 : index
      %get3A_7 = arith.constant 0 : index
      %get3A_8 = vector.load %arg14[%get3A, %get3A_7] : memref<2x416xf32, #tpu.memory_space<vmem>>, vector<1x416xf32>
      %get3A_9 = arith.constant 1 : index
      %get3A_10 = arith.constant 0 : index
      %get3A_11 = vector.load %arg14[%get3A_9, %get3A_10] : memref<2x416xf32, #tpu.memory_space<vmem>>, vector<1x416xf32>
      %get3A_12 = arith.constant 0 : index
      %get3A_13 = arith.constant 0 : index
      %get3A_14 = vector.load %arg2[%get3A_12, %get3A_13] : memref<1024x416xf32, #tpu.memory_space<vmem>>, vector<1024x416xf32>
      %sub3A = vector.broadcast %get3A_8 : vector<1x416xf32> to vector<1024x416xf32>
      %sub3A_15 = arith.subf %get3A_14, %sub3A : vector<1024x416xf32>
      %mul3A = vector.broadcast %get3A_11 : vector<1x416xf32> to vector<1024x416xf32>
      %mul3A_16 = arith.mulf %sub3A_15, %mul3A : vector<1024x416xf32>
      %convert_element_type3A_17 = arith.truncf %mul3A_16 : vector<1024x416xf32> to vector<1024x416xbf16>
      %get3A_18 = arith.constant 0 : index
      %get3A_19 = arith.constant 0 : index
      %get3A_20 = vector.load %arg5[%get3A_18, %get3A_19] : memref<416x1024xbf16, #tpu.memory_space<vmem>>, vector<416x1024xbf16>
      %dot_general3A = arith.constant dense<0.000000e+00> : vector<1024x1024xf32>
      %dot_general3A_21 = tpu.matmul %convert_element_type3A_17, %get3A_20, %dot_general3A {dimension_numbers = #tpu.dot_dimension_numbers<[1], [0], [0], [1], [0, 0, 1, 1], [], []>, transpose_lhs_hint = false} : vector<1024x416xbf16>, vector<416x1024xbf16>, vector<1024x1024xf32> -> vector<1024x1024xf32>
      %get3A_22 = arith.constant 0 : index
      %get3A_23 = arith.constant 0 : index
      %get3A_24 = vector.load %arg6[%get3A_22, %get3A_23] : memref<1x1024xf32, #tpu.memory_space<vmem>>, vector<1x1024xf32>
      %add3A = vector.broadcast %get3A_24 : vector<1x1024xf32> to vector<1024x1024xf32>
      %add3A_25 = arith.addf %dot_general3A_21, %add3A : vector<1024x1024xf32>
      %max3A = arith.constant 0.000000e+00 : f32
      %max3A_26 = vector.broadcast %max3A : f32 to vector<1024x1024xf32>
      %max3A_27 = arith.maximumf %add3A_25, %max3A_26 : vector<1024x1024xf32>
      %convert_element_type3A_28 = arith.truncf %max3A_27 : vector<1024x1024xf32> to vector<1024x1024xbf16>
      %get3A_29 = arith.constant 0 : index
      %get3A_30 = arith.constant 0 : index
      %get3A_31 = vector.load %arg7[%get3A_29, %get3A_30] : memref<1024x512xbf16, #tpu.memory_space<vmem>>, vector<1024x512xbf16>
      %dot_general3A_32 = arith.constant dense<0.000000e+00> : vector<1024x512xf32>
      %dot_general3A_33 = tpu.matmul %convert_element_type3A_28, %get3A_31, %dot_general3A_32 {dimension_numbers = #tpu.dot_dimension_numbers<[1], [0], [0], [1], [0, 0, 1, 1], [], []>, transpose_lhs_hint = false} : vector<1024x1024xbf16>, vector<1024x512xbf16>, vector<1024x512xf32> -> vector<1024x512xf32>
      %get3A_34 = arith.constant 0 : index
      %get3A_35 = arith.constant 0 : index
      %get3A_36 = vector.load %arg8[%get3A_34, %get3A_35] : memref<1x512xf32, #tpu.memory_space<vmem>>, vector<1x512xf32>
      %add3A_37 = vector.broadcast %get3A_36 : vector<1x512xf32> to vector<1024x512xf32>
      %add3A_38 = arith.addf %dot_general3A_33, %add3A_37 : vector<1024x512xf32>
      %max3A_39 = arith.constant 0.000000e+00 : f32
      %max3A_40 = vector.broadcast %max3A_39 : f32 to vector<1024x512xf32>
      %max3A_41 = arith.maximumf %add3A_38, %max3A_40 : vector<1024x512xf32>
      %convert_element_type3A_42 = arith.truncf %max3A_41 : vector<1024x512xf32> to vector<1024x512xbf16>
      %get3A_43 = arith.constant 0 : index
      %get3A_44 = arith.constant 0 : index
      %get3A_45 = vector.load %arg9[%get3A_43, %get3A_44] : memref<512x256xbf16, #tpu.memory_space<vmem>>, vector<512x256xbf16>
      %dot_general3A_46 = arith.constant dense<0.000000e+00> : vector<1024x256xf32>
      %dot_general3A_47 = tpu.matmul %convert_element_type3A_42, %get3A_45, %dot_general3A_46 {dimension_numbers = #tpu.dot_dimension_numbers<[1], [0], [0], [1], [0, 0, 1, 1], [], []>, transpose_lhs_hint = false} : vector<1024x512xbf16>, vector<512x256xbf16>, vector<1024x256xf32> -> vector<1024x256xf32>
      %get3A_48 = arith.constant 0 : index
      %get3A_49 = arith.constant 0 : index
      %get3A_50 = vector.load %arg10[%get3A_48, %get3A_49] : memref<1x256xf32, #tpu.memory_space<vmem>>, vector<1x256xf32>
      %add3A_51 = vector.broadcast %get3A_50 : vector<1x256xf32> to vector<1024x256xf32>
      %add3A_52 = arith.addf %dot_general3A_47, %add3A_51 : vector<1024x256xf32>
      %max3A_53 = arith.constant 0.000000e+00 : f32
      %max3A_54 = vector.broadcast %max3A_53 : f32 to vector<1024x256xf32>
      %max3A_55 = arith.maximumf %add3A_52, %max3A_54 : vector<1024x256xf32>
      %convert_element_type3A_56 = arith.truncf %max3A_55 : vector<1024x256xf32> to vector<1024x256xbf16>
      %iota3A = tpu.iota {dimensions = array<i32: 1>} : vector<1024x16xi32>
      %get3A_57 = arith.constant 0 : index
      %get3A_58 = arith.constant 0 : index
      %get3A_59 = vector.load %arg4[%get3A_57, %get3A_58] : memref<1024x1xi32, #tpu.memory_space<vmem>>, vector<1024x1xi32>
      %eq3A_60 = vector.broadcast %get3A_59 : vector<1024x1xi32> to vector<1024x16xi32>
      %eq3A_61 = arith.cmpi eq, %iota3A, %eq3A_60 : vector<1024x16xi32>
      %get3A_62 = arith.constant 0 : index
      %get3A_63 = arith.constant 0 : index
      %get3A_64 = vector.load %arg3[%get3A_62, %get3A_63] : memref<1024x16xf32, #tpu.memory_space<vmem>>, vector<1024x16xf32>
      %jit3A = arith.constant 0.000000e+00 : f32
      %broadcast_in_dim3A = vector.broadcast %jit3A : f32 to vector<1024x16xf32>
      %select_n3A = arith.select %eq3A_61, %get3A_64, %broadcast_in_dim3A : vector<1024x16xi1>, vector<1024x16xf32>
      %reduce_sum3A = arith.constant dense<0.000000e+00> : vector<1024xf32>
      %reduce_sum3A_65 = vector.multi_reduction <add>, %select_n3A, %reduce_sum3A [1] : vector<1024x16xf32> to vector<1024xf32>
      %broadcast_in_dim3A_66 = vector.shape_cast %reduce_sum3A_65 : vector<1024xf32> to vector<1024x1xf32>
      %get3A_67 = arith.constant 0 : index
      %get3A_68 = arith.constant 0 : index
      %get3A_69 = vector.load %arg11[%get3A_67, %get3A_68] : memref<256x1xbf16, #tpu.memory_space<vmem>>, vector<256x1xbf16>
      %dot_general3A_70 = arith.constant dense<0.000000e+00> : vector<1024x1xf32>
      %dot_general3A_71 = tpu.matmul %convert_element_type3A_56, %get3A_69, %dot_general3A_70 {dimension_numbers = #tpu.dot_dimension_numbers<[1], [0], [0], [1], [0, 0, 1, 1], [], []>, transpose_lhs_hint = false} : vector<1024x256xbf16>, vector<256x1xbf16>, vector<1024x1xf32> -> vector<1024x1xf32>
      %get3A_72 = arith.constant 0 : index
      %get3A_73 = arith.constant 0 : index
      %get3A_74 = vector.load %arg12[%get3A_72, %get3A_73] : memref<1x1xf32, #tpu.memory_space<vmem>>, vector<1x1xf32>
      %add3A_75 = vector.broadcast %get3A_74 : vector<1x1xf32> to vector<1024x1xf32>
      %add3A_76 = arith.addf %dot_general3A_71, %add3A_75 : vector<1024x1xf32>
      %add3A_77 = arith.addf %add3A_76, %broadcast_in_dim3A_66 : vector<1024x1xf32>
      %logistic3A = arith.negf %add3A_77 : vector<1024x1xf32>
      %logistic3A_78 = math.exp %logistic3A : vector<1024x1xf32>
      %logistic3A_79 = arith.constant 1.000000e+00 : f32
      %logistic3A_80 = vector.broadcast %logistic3A_79 : f32 to vector<1024x1xf32>
      %logistic3A_81 = arith.addf %logistic3A_80, %logistic3A_78 : vector<1024x1xf32>
      %logistic3A_82 = arith.divf %logistic3A_80, %logistic3A_81 : vector<1024x1xf32>
      %swap3A = arith.constant 0 : index
      %swap3A_83 = arith.constant 0 : index
      %swap3A_84 = vector.load %arg13[%swap3A, %swap3A_83] : memref<1024x1xf32, #tpu.memory_space<vmem>>, vector<1024x1xf32>
      tpu.vector_store %arg13[%swap3A, %swap3A_83], %logistic3A_82 {strides = array<i32>} : memref<1024x1xf32, #tpu.memory_space<vmem>>, vector<1024x1xf32>,
    } else {
    }
    return
  }
  func.func @transform_0(%arg0: i32, %arg1: i32) -> (i32, i32) {
    %c0_i32 = arith.constant 0 : i32
    %c0_i32_0 = arith.constant 0 : i32
    return %arg1, %c0_i32 : i32, i32
  }
  func.func @transform_1(%arg0: i32, %arg1: i32) -> (i32, i32) {
    %c0_i32 = arith.constant 0 : i32
    %c0_i32_0 = arith.constant 0 : i32
    return %arg1, %c0_i32 : i32, i32
  }
  func.func @transform_2(%arg0: i32, %arg1: i32) -> (i32, i32) {
    %c0_i32 = arith.constant 0 : i32
    %c0_i32_0 = arith.constant 0 : i32
    return %arg1, %c0_i32 : i32, i32
  }
  func.func @transform_3(%arg0: i32, %arg1: i32) -> (i32, i32) {
    %c0_i32 = arith.constant 0 : i32
    %c0_i32_0 = arith.constant 0 : i32
    %c0_i32_1 = arith.constant 0 : i32
    return %c0_i32, %c0_i32_0 : i32, i32
  }
  func.func @transform_4(%arg0: i32, %arg1: i32) -> (i32, i32) {
    %c0_i32 = arith.constant 0 : i32
    %c0_i32_0 = arith.constant 0 : i32
    %c0_i32_1 = arith.constant 0 : i32
    return %c0_i32, %c0_i32_0 : i32, i32
  }
  func.func @transform_5(%arg0: i32, %arg1: i32) -> (i32, i32) {
    %c0_i32 = arith.constant 0 : i32
    %c0_i32_0 = arith.constant 0 : i32
    %c0_i32_1 = arith.constant 0 : i32
    return %c0_i32, %c0_i32_0 : i32, i32
  }
  func.func @transform_6(%arg0: i32, %arg1: i32) -> (i32, i32) {
    %c0_i32 = arith.constant 0 : i32
    %c0_i32_0 = arith.constant 0 : i32
    %c0_i32_1 = arith.constant 0 : i32
    return %c0_i32, %c0_i32_0 : i32, i32
  }
  func.func @transform_7(%arg0: i32, %arg1: i32) -> (i32, i32) {
    %c0_i32 = arith.constant 0 : i32
    %c0_i32_0 = arith.constant 0 : i32
    %c0_i32_1 = arith.constant 0 : i32
    return %c0_i32, %c0_i32_0 : i32, i32
  }
  func.func @transform_8(%arg0: i32, %arg1: i32) -> (i32, i32) {
    %c0_i32 = arith.constant 0 : i32
    %c0_i32_0 = arith.constant 0 : i32
    %c0_i32_1 = arith.constant 0 : i32
    return %c0_i32, %c0_i32_0 : i32, i32
  }
  func.func @transform_9(%arg0: i32, %arg1: i32) -> (i32, i32) {
    %c0_i32 = arith.constant 0 : i32
    %c0_i32_0 = arith.constant 0 : i32
    %c0_i32_1 = arith.constant 0 : i32
    return %c0_i32, %c0_i32_0 : i32, i32
  }
  func.func @transform_10(%arg0: i32, %arg1: i32) -> (i32, i32) {
    %c0_i32 = arith.constant 0 : i32
    %c0_i32_0 = arith.constant 0 : i32
    %c0_i32_1 = arith.constant 0 : i32
    return %c0_i32, %c0_i32_0 : i32, i32
  }
  func.func @transform_11(%arg0: i32, %arg1: i32) -> (i32, i32) {
    %c0_i32 = arith.constant 0 : i32
    %c0_i32_0 = arith.constant 0 : i32
    return %arg1, %c0_i32 : i32, i32
  }
}

</mosaic_0001>

<sc_bundles>
// kernel: kernel.5.cloned.1.call-start
scs
__scs_entry_jumppad:
0x0: {  	(pc) =	sbr.rel $0x88, $3  }
0x1: {  	(tag) =	ssettag $0x0;
	lr =	simm.s32 $0x1  }
0x2: {  	[smem:$0x3F96] =	sst lr;
	_ =	strace $0xD0000000  }
0x3: {  	_ = 	snop  }
0x4: {  	_ = 	snop  }
0x5: {  	_ = 	snop  }
0x6: {  	_ = 	snop  }
0x7: {  	_ = 	snop  }
__scs_overlays_trampoline_lowered:
0x8: {  	[smem:$0x3FA5] =	sst s0  }
0x9: {  	[smem:$0x3FA6] =	sst s1  }
0xa: {  	[smem:$0x3FA7] =	sst s2  }
0xb: {  	[smem:$0x3FA8] =	sst s3  }
0xc: {  	[smem:$0x3FA9] =	sst s4  }
0xd: {  	[smem:$0x3FAA] =	sst s5  }
0xe: {  	[smem:$0x3FAB] =	sst s6  }
0xf: {  	[smem:$0x3FAC] =	sst s7  }
0x10: {  	[smem:$0x3FAD] =	sst s8  }
0x11: {  	[smem:$0x3FAE] =	sst s9;
	s0 =	simm.s32 @!p0 $0x0  }
0x12: {  	s1 =	sld [smem:$0x3F94];
	s0 =	simm.s32 @p0 $0x1  }
0x13: {  	[smem:$0x3FAF] =	sst s0;
	s0 =	simm.s32 @!p1 $0x0  }
0x14: {  	s2 =	sld [smem:$0x3F93];
	s0 =	simm.s32 @p1 $0x1  }
0x15: {  	[smem:$0x3FB0] =	sst s0;
	s0 =	simm.s32 @!p2 $0x0  }
0x16: {  	s3 =	sld [smem:$0x3FDB];
	s0 =	simm.s32 @p2 $0x1  }
0x17: {  	s4 =	simm.s32 $0x1BF5;
	[smem:$0x3FB2] =	sst s0  }
0x18: {  	s0 =	sld [smem:$0x3F95];
	_ =	swait.ge [sflag:s4], $0x0  }
0x19: {  	s7 =	sld [smem:$0x3F96]  }
0x1a: {  	s8 =	sadd.s32 $0xFFFFE003, lr  }
0x1b: {  	s9 =	sadd.s32 $0xFFFFFEF7, lr;
	s5 =	simm.s32 $0xFFFFFFFF;
	p2 =	slt.u32 s8, $0xFFFFF086  }
0x1c: {  	p1 =	slt.u32 s9, $0xF7A;
	s5 =	simm.s32 @!p2 $0x0  }
0x1d: {  	s5 =	simm.s32 @p1 $0x1;
	p0 =	seq.s32 s7, s2  }
0x1e: {  	s7 =	smul.u32 @!p0 $0xF7A, s2;
	p2 =	seq.s32 @!p0 s5, $0x0  }
0x1f: {  	s9 =	smul.u32 $0xF7A, s1;
	s8 =	simm.s32 @!p0 $0x1BF5;
	p2 =	por !p2, p0  }
0x20: {  	[sflag:s8] =	ssyncset.s32 @!p0 $0xFFFFF086;
	s6 =	sadd.s32 @!p0 s3, s7;
	s7 =	simm.s32 @!p0 $0x108  }
0x21: {  	s3 =	sadd.s32 s3, s9;
	s6 =	sadd.s32 @!p0 $0x88, s6;
	s7 =	simm.s32 @p2 $0x1082  }
0x22: {  	[simem:s7], [sflag:s8] =	dma.local @!p0 [hbm:s6], $0xF7A  }
0x23: {  	s9 =	sor.u32 $0xD0000000, s2;
	s6 =	simm.s32 $0x108;
	_ =	swait.ge @!p0 [sflag:s8], $0x0  }
0x24: {  	s3 =	sadd.s32 $0x88, s3;
	s6 =	simm.s32 @!p1 $0x1082;
	[sflag:s4] =	ssyncset.s32 $0xFFFFF086  }
0x25: {  	[simem:s6], [sflag:s4] =	dma.local [hbm:s3], $0xF7A  }
0x26: {  	[smem:$0x3F96] =	sst s1;
	(tag) =	ssettag s2;
	_ =	strace s9  }
0x27: {  	s1 =	sld [smem:$0x3FA6]  }
0x28: {  	s2 =	sld [smem:$0x3FA7]  }
0x29: {  	s4 =	sld [smem:$0x3FA9]  }
0x2a: {  	p0 =	seq.s32 s5, $0x0;
	s5 =	sld [smem:$0x3FAA]  }
0x2b: {  	s6 =	sld [smem:$0x3FAB]  }
0x2c: {  	s7 =	sld [smem:$0x3FAC]  }
0x2d: {  	s3 =	simm.s32 $0x108;
	s8 =	sld [smem:$0x3FAD]  }
0x2e: {  	s3 =	simm.s32 @!p0 $0x1082;
	s9 =	sld [smem:$0x3FAE]  }
0x2f: {  	lr =	sadd.s32 s0, s3;
	s0 =	sld [smem:$0x3FA5]  }
0x30: {  	s3 =	sld [smem:$0x3FA8]  }
0x31: {  	[smem:$0x3FB1] =	sst s10  }
0x32: {  	s10 =	sld [smem:$0x3FAF];
	_ =	sdelay $0x3  }
0x33: {  	p0 =	seq.s32 s10, $0x1;
	s10 =	sld [smem:$0x3FB1];
	_ =	sdelay $0x3  }
0x34: {  	[smem:$0x3FB1] =	sst s10  }
0x35: {  	s10 =	sld [smem:$0x3FB0];
	_ =	sdelay $0x3  }
0x36: {  	p1 =	seq.s32 s10, $0x1;
	s10 =	sld [smem:$0x3FB1];
	_ =	sdelay $0x3  }
0x37: {  	[smem:$0x3FB1] =	sst s10  }
0x38: {  	s10 =	sld [smem:$0x3FB2]  }
0x39: {  	_ = 	snop;
	(pc) =	sbr.ind lr, $3  }
0x3a: {  	_ = 	snop  }
0x3b: {  	_ = 	snop  }
0x3c: {  	p2 =	seq.s32 s10, $0x1;
	s10 =	sld [smem:$0x3FB1]  }
0x3d: {  	_ =	shalt  }
0x3e: {  	_ =	shalt  }
0x3f: {  	_ =	shalt  }
0x40: {  	_ =	shalt  }
0x41: {  	_ =	shalt  }
0x42: {  	_ =	shalt  }
0x43: {  	_ =	shalt  }
0x44: {  	_ =	shalt  }
0x45: {  	_ =	shalt  }
0x46: {  	_ =	shalt  }
0x47: {  	_ =	shalt  }
0x48: {  	_ =	shalt  }
0x49: {  	_ =	shalt  }
0x4a: {  	_ =	shalt  }
0x4b: {  	_ =	shalt  }
0x4c: {  	_ =	shalt  }
0x4d: {  	_ =	shalt  }
0x4e: {  	_ =	shalt  }
0x4f: {  	_ =	shalt  }
0x50: {  	_ =	shalt  }
0x51: {  	_ =	shalt  }
0x52: {  	_ =	shalt  }
0x53: {  	_ =	shalt  }
0x54: {  	_ =	shalt  }
0x55: {  	_ =	shalt  }
0x56: {  	_ =	shalt  }
0x57: {  	_ =	shalt  }
0x58: {  	_ =	shalt  }
0x59: {  	_ =	shalt  }
0x5a: {  	_ =	shalt  }
0x5b: {  	_ =	shalt  }
0x5c: {  	_ =	shalt  }
0x5d: {  	_ =	shalt  }
0x5e: {  	_ =	shalt  }
0x5f: {  	_ =	shalt  }
0x60: {  	_ =	shalt  }
0x61: {  	_ =	shalt  }
0x62: {  	_ =	shalt  }
0x63: {  	_ =	shalt  }
0x64: {  	_ =	shalt  }
0x65: {  	_ =	shalt  }
0x66: {  	_ =	shalt  }
0x67: {  	_ =	shalt  }
0x68: {  	_ =	shalt  }
0x69: {  	_ =	shalt  }
0x6a: {  	_ =	shalt  }
0x6b: {  	_ =	shalt  }
0x6c: {  	_ =	shalt  }
0x6d: {  	_ =	shalt  }
0x6e: {  	_ =	shalt  }
0x6f: {  	_ =	shalt  }
0x70: {  	_ =	shalt  }
0x71: {  	_ =	shalt  }
0x72: {  	_ =	shalt  }
0x73: {  	_ =	shalt  }
0x74: {  	_ =	shalt  }
0x75: {  	_ =	shalt  }
0x76: {  	_ =	shalt  }
0x77: {  	_ =	shalt  }
0x78: {  	_ =	shalt  }
0x79: {  	_ =	shalt  }
0x7a: {  	_ =	shalt  }
0x7b: {  	_ =	shalt  }
0x7c: {  	_ =	shalt  }
0x7d: {  	_ =	shalt  }
0x7e: {  	_ =	shalt  }
0x7f: {  	_ =	shalt  }
0x80: {  	_ =	shalt  }
0x81: {  	_ =	shalt  }
0x82: {  	_ =	shalt  }
0x83: {  	_ =	shalt  }
0x84: {  	_ =	shalt  }
0x85: {  	_ =	shalt  }
0x86: {  	_ =	shalt  }
0x87: {  	_ =	shalt  }
.Lfunc_end0:
.L_simem_size_0:
called_computation_lowered:
.L_overlay_start_0:
0x88: {  	s2 =	sld [smem:$0x3FD9]  }
0x89: {  	s3 =	sld [smem:$0x3FFE];
	_ =	sdelay $0x1  }
0x8a: {  	s1 =	srdreg.scid  }
0x8b: {  	s0 =	sand.u32 $0x1, s1  }
0x8c: {  	s17 =	sshll.u32 s0, $0xA;
	s2 =	sadd.s32 s3, s2  }
0x8d: {  	s2 =	sadd.s32 s2, s17  }
0x8e: {  	[smem:$0x3FBD] =	sst s2  }
0x8f: {  	_ = 	snop  }
0x90: {  	s2 =	sld [smem:$0x3FD0];
	(tm) =	ssettm $0x1  }
0x91: {  	s18 =	sld [smem:$0x3FFB];
	_ =	sdelay $0x3  }
0x92: {  	_ =	strace s18  }
0x93: {  	s3 =	sld [smem:$0x3FFC];
	_ =	sdelay $0x3  }
0x94: {  	_ =	strace s3  }
0x95: {  	s3 =	sld [smem:$0x3FFD];
	_ =	sdelay $0x3  }
0x96: {  	_ =	strace s3  }
0x97: {  	_ =	strace $0x8FFFFFFF  }
0x98: {  	s19 =	sld [smem:$0x3FDB];
	_ =	sdelay $0x1  }
0x99: {  	s4 =	simm.s32 $_scs_section_size  }
0x9a: {  	s5 =	simm.s32 $_size__tile_overlayer_lowered;
	s6 =	simm.s32 $_tile_overlayer_lowered  }
0x9b: {  	s22 =	simm.s32 $0x1BFF;
	s21 =	sshll.u32 s6, $0x1;
	s3 =	sadd.s32 s4, s19  }
0x9c: {  	s7 =	simm.s32 $0x0;
	s20 =	sshll.u32 s5, $0x1;
	s5 =	sadd.s32 s21, s3  }
0x9d: {  	[timem:s7], [sflag:s22] =	dma.local [hbm:s5], s20  }
0x9e: {  	_ =	swait.ge [sflag:s22], s20  }
0x9f: {  	s4 =	ssub.s32 $0x0, s20;
	[sflag:s22] =	ssyncset.done $0x0  }
0xa0: {  	[sflag:s22] =	ssyncadd.s32 s4;
	_ =	sdelay $0x1  }
0xa1: {  	s23 =	simm.s32 $0x1B8B  }
0xa2: {  	_ =	swait.ge [sflag:s23], $0x1  }
0xa3: {  	[sflag:s23] =	ssyncset.done $0x0  }
0xa4: {  	s25 =	simm.s32 $0x1B8E;
	s24 =	sld [smem:$0x3FFE];
	[sflag:s23] =	ssyncadd.s32 $0xFFFFFFFF  }
0xa5: {  	s26 =	simm.s32 $execute0_lowered;
	[smem:$0x3FD2] =	sst s25  }
0xa6: {  	s5 =	sshll.u32 s26, $0x1;
	_ =	strace $0x80000046;
	[dreg:$0x1] =	wrdreg $0xFFFFFFFF  }
0xa7: {  	s28 =	simm.s32 $_size_execute0_lowered;
	s3 =	sadd.s32 s3, s5;
	[dreg:$0x0] =	wrdreg $0x0  }
0xa8: {  	s5 =	sshll.u32 s28, $0x1;
	[dreg:$0x2] =	wrdreg s3  }
0xa9: {  	[dreg:$0x3] =	wrdreg s5  }
0xaa: {  	[dreg:$0x4] =	wrdreg $0xC0  }
0xab: {  	_ =	task [dreg:s7], $0x5FFFF  }
0xac: {  	[dreg:$0x1] =	wrdreg $0xFFFFFFFF  }
0xad: {  	[dreg:$0x0] =	wrdreg $0x60  }
0xae: {  	[dreg:$0x2] =	wrdreg s24  }
0xaf: {  	[dreg:$0x3] =	wrdreg s2  }
0xb0: {  	[dreg:$0x4] =	wrdreg $0x9  }
0xb1: {  	_ =	task.clear_ibuf [dreg:s7], $0x5FFFF;
	_ =	strace $0x90000046  }
0xb2: {  	s29 =	simm.s32 $0x9;
	_ =	strace $0x80000048  }
0xb3: {  	_ =	swait.ge [sflag:s29], $0x1  }
0xb4: {  	[sflag:s29] =	ssyncadd.s32 $0xFFFFFFFF  }
0xb5: {  	_ =	strace $0x90000048  }
0xb6: {  	_ =	sfence  }
0xb7: {  	s30 =	sld [smem:$0x0];
	_ =	sdelay $0x2  }
0xb8: {  	s31 =	sshll.u32 s1, $0xD;
	s1 =	sshrl.u32 s1, $0x2  }
0xb9: {  	s3 =	sand.u32 $0x4000, s31;
	s1 =	sadd.s32 s1, s30  }
0xba: {  	s0 =	sor.u32 s3, s0;
	s1 =	sshll.u32 s1, $0x11  }
0xbb: {  	s0 =	sor.u32 s1, s0  }
0xbc: {  	s0 =	sadd.s32 $0x8F2B, s0  }
0xbd: {  	[sflag:s0] =	ssyncadd.remote.s32 $0x1  }
0xbe: {  	_ =	sfence.sel $0xFFFF  }
0xbf: {  	[dreg:$0x0] =	wrdreg $0xFFFFFFFF;
	(pc) =	sbr.abs _section_cstart, $3  }
0xc0: {  	[dreg:$0x1] =	wrdreg $0xFFFFFFFF  }
0xc1: {  	_ =	task.clear_ibuf [dreg:s7], $0x2FFFF;
	_ =	strace $0x9FFFFFFF  }
0xc2: {  	(tm) =	ssettm $0x7FFFFFFF  }
0xc3: {  	_ =	shalt  }
tec
execute0_lowered:
.L_overlay_start_1:
0x0: {  	(tag) =	ssettag $0x1  }
0x1: {  	s0 =	srdreg.scid;
	s5 =	rddreg [dreg:$0x0]  }
0x2: {  	s4 =	stileid.u32;
	s6 =	rddreg [dreg:$0x1];
	s2 =	simm.s32 $0x0  }
0x3: {  	s12 =	simm.s32 $0x80;
	s13 =	simm.s32 $0x9E00;
	s20 =	simm.s32 $0x1  }
0x4: {  	s25 =	simm.s32 $0x3C00;
	s21 =	simm.s32 $0x3400;
	s26 =	simm.s32 $0x4400  }
0x5: {  	s22 =	simm.s32 $0x4C00;
	s23 =	simm.s32 $0x5400;
	s28 =	simm.s32 $0x7400  }
0x6: {  	s29 =	simm.s32 $0x7C00;
	s30 =	simm.s32 $0x8400;
	s31 =	simm.s32 $0x8C00  }
0x7: {  	s0 =	sand.u32 $0x1, s0;
	s1 =	sshll.u32 s4, $0x1;
	[smem:$0x7FF] =	sst s2  }
0x8: {  	s7 =	smul.u32 $0xD000, s4;
	s4 =	sadd.s32 $0x235A00, s5;
	s1 =	sor.u32 s0, s1  }
0x9: {  	_ =	strace $0x80000047;
	s9 =	ssub.s32 $0x2, s0;
	[dreg:$0x3] =	wrdreg s25  }
0xa: {  	s0 =	smul.u32 $0x6800, s0;
	[dreg:$0x4] =	wrdreg s26;
	s25 =	simm.s32 $0x6400  }
0xb: {  	s26 =	simm.s32 $0x6C00;
	s3 =	smul.u32 $0x3400, s1;
	s7 =	sadd.s32 s7, s5  }
0xc: {  	s10 =	sshll.u32 s1, $0xA;
	s11 =	sshrl.u32 s9, $0x1;
	s1 =	sshll.u32 s1, $0x6  }
0xd: {  	s10 =	sadd.s32 s10, s5;
	s9 =	ssub.s32 s9, s11;
	s1 =	sadd.s32 s6, s1  }
0xe: {  	s0 =	sadd.s32 s0, s7;
	s11 =	simm.s32 $0x9C00;
	s3 =	sshrl.u32 s3, $0x3  }
0xf: {  	[dreg:$0x6] =	wrdreg s1;
	s7 =	sadd.s32 $0x324400, s10;
	s10 =	simm.s32 $0x2  }
0x10: {  	s1 =	simm.s32 $0x9400;
	s8 =	sadd.s32 s3, s5;
	s3 =	sadd.s32 $0x4D400, s5  }
0x11: {  	s24 =	sadd.s32 $0x40400, s8;
	s8 =	smax.u32 s9, $0x1;
	s9 =	sadd.s32 $0x254400, s0  }
0x12: {  	s0 =	simm.s32 $0x0;
	[dreg:$0x5] =	wrdreg s24;
	s24 =	simm.s32 $0x5C00  }
.LBB2_1:
0x13: {  	s5 =	rddreg [dreg:$0x5]  }
0x14: {  	[tilespmem:s2], [sflag:$0x2] =	stream.linear.gather [hbm4b:s5+s2], $0x3400, $0x38;
	[tilespmem:$0xBE00] =	vst v63  }
0x15: {  	_ =	swait.ge [sflag:s10], $0x3400  }
0x16: {  	[sflag:s10] =	ssyncset.done $0x0  }
0x17: {  	s14 =	rddreg [dreg:$0x6];
	[sflag:s10] =	ssyncadd.s32 $0xFFFFCC00  }
0x18: {  	[tilespmem:s11], [sflag:$0x2] =	stream.linear.gather [hbm4b:s14+s2], $0x200, $0x38;
	[tilespmem:$0xBE00] =	vst v63  }
0x19: {  	_ =	swait.ge [sflag:s10], $0x200  }
0x1a: {  	[sflag:s10] =	ssyncset.done $0x0  }
0x1b: {  	[sflag:s10] =	ssyncadd.s32 $0xFFFFFE00  }
0x1c: {  	[tilespmem:s13], [sflag:$0x1] =	stream.indirect.gather [hbm4b:s4+s12], $0x10, s11, s12, $0xb8;
	[tilespmem:$0xBE00] =	vst v63  }
0x1d: {  	s15 =	simm.s32 $0x9C80;
	s6 =	simm.s32 $0xA600  }
0x1e: {  	[tilespmem:s6], [sflag:$0x1] =	stream.indirect.gather [hbm4b:s4+s12], $0x10, s15, s12, $0xb8;
	[tilespmem:$0xBE00] =	vst v63  }
0x1f: {  	s16 =	simm.s32 $0x9D00;
	s17 =	simm.s32 $0xAE00  }
0x20: {  	[tilespmem:s17], [sflag:$0x1] =	stream.indirect.gather [hbm4b:s4+s12], $0x10, s16, s12, $0xb8;
	[tilespmem:$0xBE00] =	vst v63  }
0x21: {  	s18 =	simm.s32 $0x9D80;
	s19 =	simm.s32 $0xB600  }
0x22: {  	[tilespmem:s19], [sflag:$0x1] =	stream.indirect.gather [hbm4b:s4+s12], $0x10, s18, s12, $0xb8;
	[tilespmem:$0xBE00] =	vst v63  }
0x23: {  	_ =	swait.ge [sflag:s20], $0x800  }
0x24: {  	[sflag:s20] =	ssyncset.done $0x0  }
0x25: {  	[sflag:s20] =	ssyncadd.s32 $0xFFFFF800  }
0x26: {  	_ =	swait.ge [sflag:s20], $0x800  }
0x27: {  	[sflag:s20] =	ssyncset.done $0x0  }
0x28: {  	[sflag:s20] =	ssyncadd.s32 $0xFFFFF800  }
0x29: {  	_ =	swait.ge [sflag:s20], $0x800  }
0x2a: {  	[sflag:s20] =	ssyncset.done $0x0  }
0x2b: {  	[sflag:s20] =	ssyncadd.s32 $0xFFFFF800  }
0x2c: {  	_ =	swait.ge [sflag:s20], $0x800  }
0x2d: {  	[sflag:s20] =	ssyncset.done $0x0  }
0x2e: {  	[sflag:s20] =	ssyncadd.s32 $0xFFFFF800  }
0x2f: {  	[hbm4b:s7+s2] =	stream.linear.scatter [tilespmem:s13], [sflag:$0x2], $0x2000, $0x38;
	[tilespmem:$0xBE00] =	vst v63  }
0x30: {  	_ =	swait.ge [sflag:s10], $0x2000  }
0x31: {  	[sflag:s10] =	ssyncset.done $0x0  }
0x32: {  	s14 =	simm.s32 $0x0;
	[sflag:s10] =	ssyncadd.s32 $0xFFFFE000  }
0x33: {  	[tilespmem:s21], [sflag:$0x1] =	stream.indirect.gather [hbm4b:s3+s12], $0x10, s14, s12, $0xb8;
	[tilespmem:$0xBE00] =	vst v63  }
0x34: {  	s6 =	simm.s32 $0x80;
	s15 =	rddreg [dreg:$0x3]  }
0x35: {  	[tilespmem:s15], [sflag:$0x1] =	stream.indirect.gather [hbm4b:s3+s12], $0x10, s6, s12, $0xb8;
	[tilespmem:$0xBE00] =	vst v63  }
0x36: {  	s16 =	rddreg [dreg:$0x4];
	s15 =	simm.s32 $0x100  }
0x37: {  	[tilespmem:s16], [sflag:$0x1] =	stream.indirect.gather [hbm4b:s3+s12], $0x10, s15, s12, $0xb8;
	[tilespmem:$0xBE00] =	vst v63  }
0x38: {  	s17 =	simm.s32 $0x180  }
0x39: {  	[tilespmem:s22], [sflag:$0x1] =	stream.indirect.gather [hbm4b:s3+s12], $0x10, s17, s12, $0xb8;
	[tilespmem:$0xBE00] =	vst v63  }
0x3a: {  	s18 =	simm.s32 $0x200  }
0x3b: {  	[tilespmem:s23], [sflag:$0x1] =	stream.indirect.gather [hbm4b:s3+s12], $0x10, s18, s12, $0xb8;
	[tilespmem:$0xBE00] =	vst v63  }
0x3c: {  	s19 =	simm.s32 $0x280  }
0x3d: {  	[tilespmem:s24], [sflag:$0x1] =	stream.indirect.gather [hbm4b:s3+s12], $0x10, s19, s12, $0xb8;
	[tilespmem:$0xBE00] =	vst v63  }
0x3e: {  	s5 =	simm.s32 $0x300  }
0x3f: {  	[tilespmem:s25], [sflag:$0x1] =	stream.indirect.gather [hbm4b:s3+s12], $0x10, s5, s12, $0xb8;
	[tilespmem:$0xBE00] =	vst v63  }
0x40: {  	s6 =	simm.s32 $0x380  }
0x41: {  	[tilespmem:s26], [sflag:$0x1] =	stream.indirect.gather [hbm4b:s3+s12], $0x10, s6, s12, $0xb8;
	[tilespmem:$0xBE00] =	vst v63  }
0x42: {  	s15 =	simm.s32 $0x400  }
0x43: {  	[tilespmem:s28], [sflag:$0x1] =	stream.indirect.gather [hbm4b:s3+s12], $0x10, s15, s12, $0xb8;
	[tilespmem:$0xBE00] =	vst v63  }
0x44: {  	s16 =	simm.s32 $0x480  }
0x45: {  	[tilespmem:s29], [sflag:$0x1] =	stream.indirect.gather [hbm4b:s3+s12], $0x10, s16, s12, $0xb8;
	[tilespmem:$0xBE00] =	vst v63  }
0x46: {  	s17 =	simm.s32 $0x500  }
0x47: {  	[tilespmem:s30], [sflag:$0x1] =	stream.indirect.gather [hbm4b:s3+s12], $0x10, s17, s12, $0xb8;
	[tilespmem:$0xBE00] =	vst v63  }
0x48: {  	s18 =	simm.s32 $0x580  }
0x49: {  	[tilespmem:s31], [sflag:$0x1] =	stream.indirect.gather [hbm4b:s3+s12], $0x10, s18, s12, $0xb8;
	[tilespmem:$0xBE00] =	vst v63  }
0x4a: {  	s19 =	simm.s32 $0x600  }
0x4b: {  	[tilespmem:s1], [sflag:$0x1] =	stream.indirect.gather [hbm4b:s3+s12], $0x10, s19, s12, $0xb8;
	[tilespmem:$0xBE00] =	vst v63  }
0x4c: {  	_ =	swait.ge [sflag:s20], $0x800  }
0x4d: {  	[sflag:s20] =	ssyncset.done $0x0  }
0x4e: {  	[sflag:s20] =	ssyncadd.s32 $0xFFFFF800  }
0x4f: {  	_ =	swait.ge [sflag:s20], $0x800  }
0x50: {  	[sflag:s20] =	ssyncset.done $0x0  }
0x51: {  	[sflag:s20] =	ssyncadd.s32 $0xFFFFF800  }
0x52: {  	_ =	swait.ge [sflag:s20], $0x800  }
0x53: {  	[sflag:s20] =	ssyncset.done $0x0  }
0x54: {  	[sflag:s20] =	ssyncadd.s32 $0xFFFFF800  }
0x55: {  	_ =	swait.ge [sflag:s20], $0x800  }
0x56: {  	[sflag:s20] =	ssyncset.done $0x0  }
0x57: {  	[sflag:s20] =	ssyncadd.s32 $0xFFFFF800  }
0x58: {  	_ =	swait.ge [sflag:s20], $0x800  }
0x59: {  	[sflag:s20] =	ssyncset.done $0x0  }
0x5a: {  	[sflag:s20] =	ssyncadd.s32 $0xFFFFF800  }
0x5b: {  	_ =	swait.ge [sflag:s20], $0x800  }
0x5c: {  	[sflag:s20] =	ssyncset.done $0x0  }
0x5d: {  	[sflag:s20] =	ssyncadd.s32 $0xFFFFF800  }
0x5e: {  	_ =	swait.ge [sflag:s20], $0x800  }
0x5f: {  	[sflag:s20] =	ssyncset.done $0x0  }
0x60: {  	[sflag:s20] =	ssyncadd.s32 $0xFFFFF800  }
0x61: {  	_ =	swait.ge [sflag:s20], $0x800  }
0x62: {  	[sflag:s20] =	ssyncset.done $0x0  }
0x63: {  	[sflag:s20] =	ssyncadd.s32 $0xFFFFF800  }
0x64: {  	_ =	swait.ge [sflag:s20], $0x800  }
0x65: {  	[sflag:s20] =	ssyncset.done $0x0  }
0x66: {  	[sflag:s20] =	ssyncadd.s32 $0xFFFFF800  }
0x67: {  	_ =	swait.ge [sflag:s20], $0x800  }
0x68: {  	[sflag:s20] =	ssyncset.done $0x0  }
0x69: {  	[sflag:s20] =	ssyncadd.s32 $0xFFFFF800  }
0x6a: {  	_ =	swait.ge [sflag:s20], $0x800  }
0x6b: {  	[sflag:s20] =	ssyncset.done $0x0  }
0x6c: {  	[sflag:s20] =	ssyncadd.s32 $0xFFFFF800  }
0x6d: {  	_ =	swait.ge [sflag:s20], $0x800  }
0x6e: {  	[sflag:s20] =	ssyncset.done $0x0  }
0x6f: {  	[sflag:s20] =	ssyncadd.s32 $0xFFFFF800  }
0x70: {  	_ =	swait.ge [sflag:s20], $0x800  }
0x71: {  	[sflag:s20] =	ssyncset.done $0x0  }
0x72: {  	[sflag:s20] =	ssyncadd.s32 $0xFFFFF800  }
0x73: {  	[hbm4b:s9+s2] =	stream.linear.scatter [tilespmem:s21], [sflag:$0x2], $0x6800, $0x38;
	[tilespmem:$0xBE00] =	vst v63  }
0x74: {  	s14 =	sadd.s32 $0xD00, s9;
	_ =	swait.ge [sflag:s10], $0x6800  }
0x75: {  	s15 =	simm.s32 $0x1A00;
	s16 =	simm.s32 $0x3400;
	[sflag:s10] =	ssyncset.done $0x0  }
.LBB2_2:
0x76: {  	s18 =	sshra.s32 s15, $0x2;
	s19 =	rddreg [dreg:$0x3];
	[sflag:s10] =	ssyncadd.s32 $0xFFFF9800  }
0x77: {  	[tilespmem:s21], [sflag:$0x1] =	stream.indirect.gather [hbm4b:s3+s12], $0x10, s18, s12, $0xb8;
	[tilespmem:$0xBE00] =	vst v63  }
0x78: {  	s15 =	smov.u32 s16;
	s17 =	sadd.s32 $0x1A00, s16;
	s5 =	sadd.s32 $0x80, s18  }
0x79: {  	[tilespmem:s19], [sflag:$0x1] =	stream.indirect.gather [hbm4b:s3+s12], $0x10, s5, s12, $0xb8;
	[tilespmem:$0xBE00] =	vst v63  }
0x7a: {  	s6 =	rddreg [dreg:$0x4];
	p0 =	sne.s32 s16, $0xB600;
	s16 =	sadd.s32 $0x100, s18  }
0x7b: {  	[tilespmem:s6], [sflag:$0x1] =	stream.indirect.gather [hbm4b:s3+s12], $0x10, s16, s12, $0xb8;
	[tilespmem:$0xBE00] =	vst v63  }
0x7c: {  	s19 =	sadd.s32 $0x180, s18  }
0x7d: {  	[tilespmem:s22], [sflag:$0x1] =	stream.indirect.gather [hbm4b:s3+s12], $0x10, s19, s12, $0xb8;
	[tilespmem:$0xBE00] =	vst v63  }
0x7e: {  	s6 =	sadd.s32 $0x200, s18  }
0x7f: {  	[tilespmem:s23], [sflag:$0x1] =	stream.indirect.gather [hbm4b:s3+s12], $0x10, s6, s12, $0xb8;
	[tilespmem:$0xBE00] =	vst v63  }
0x80: {  	s16 =	sadd.s32 $0x280, s18  }
0x81: {  	[tilespmem:s24], [sflag:$0x1] =	stream.indirect.gather [hbm4b:s3+s12], $0x10, s16, s12, $0xb8;
	[tilespmem:$0xBE00] =	vst v63  }
0x82: {  	s19 =	sadd.s32 $0x300, s18  }
0x83: {  	[tilespmem:s25], [sflag:$0x1] =	stream.indirect.gather [hbm4b:s3+s12], $0x10, s19, s12, $0xb8;
	[tilespmem:$0xBE00] =	vst v63  }
0x84: {  	s6 =	sadd.s32 $0x380, s18  }
0x85: {  	[tilespmem:s26], [sflag:$0x1] =	stream.indirect.gather [hbm4b:s3+s12], $0x10, s6, s12, $0xb8;
	[tilespmem:$0xBE00] =	vst v63  }
0x86: {  	s16 =	sadd.s32 $0x400, s18  }
0x87: {  	[tilespmem:s28], [sflag:$0x1] =	stream.indirect.gather [hbm4b:s3+s12], $0x10, s16, s12, $0xb8;
	[tilespmem:$0xBE00] =	vst v63  }
0x88: {  	s19 =	sadd.s32 $0x480, s18  }
0x89: {  	[tilespmem:s29], [sflag:$0x1] =	stream.indirect.gather [hbm4b:s3+s12], $0x10, s19, s12, $0xb8;
	[tilespmem:$0xBE00] =	vst v63  }
0x8a: {  	s6 =	sadd.s32 $0x500, s18  }
0x8b: {  	[tilespmem:s30], [sflag:$0x1] =	stream.indirect.gather [hbm4b:s3+s12], $0x10, s6, s12, $0xb8;
	[tilespmem:$0xBE00] =	vst v63  }
0x8c: {  	s16 =	sadd.s32 $0x580, s18  }
0x8d: {  	[tilespmem:s31], [sflag:$0x1] =	stream.indirect.gather [hbm4b:s3+s12], $0x10, s16, s12, $0xb8;
	[tilespmem:$0xBE00] =	vst v63  }
0x8e: {  	s19 =	sadd.s32 $0x600, s18  }
0x8f: {  	[tilespmem:s1], [sflag:$0x1] =	stream.indirect.gather [hbm4b:s3+s12], $0x10, s19, s12, $0xb8;
	[tilespmem:$0xBE00] =	vst v63  }
0x90: {  	_ =	swait.ge [sflag:s20], $0x800  }
0x91: {  	[sflag:s20] =	ssyncset.done $0x0  }
0x92: {  	[sflag:s20] =	ssyncadd.s32 $0xFFFFF800  }
0x93: {  	_ =	swait.ge [sflag:s20], $0x800  }
0x94: {  	[sflag:s20] =	ssyncset.done $0x0  }
0x95: {  	[sflag:s20] =	ssyncadd.s32 $0xFFFFF800  }
0x96: {  	_ =	swait.ge [sflag:s20], $0x800  }
0x97: {  	[sflag:s20] =	ssyncset.done $0x0  }
0x98: {  	[sflag:s20] =	ssyncadd.s32 $0xFFFFF800  }
0x99: {  	_ =	swait.ge [sflag:s20], $0x800  }
0x9a: {  	[sflag:s20] =	ssyncset.done $0x0  }
0x9b: {  	[sflag:s20] =	ssyncadd.s32 $0xFFFFF800  }
0x9c: {  	_ =	swait.ge [sflag:s20], $0x800  }
0x9d: {  	[sflag:s20] =	ssyncset.done $0x0  }
0x9e: {  	[sflag:s20] =	ssyncadd.s32 $0xFFFFF800  }
0x9f: {  	_ =	swait.ge [sflag:s20], $0x800  }
0xa0: {  	[sflag:s20] =	ssyncset.done $0x0  }
0xa1: {  	[sflag:s20] =	ssyncadd.s32 $0xFFFFF800  }
0xa2: {  	_ =	swait.ge [sflag:s20], $0x800  }
0xa3: {  	[sflag:s20] =	ssyncset.done $0x0  }
0xa4: {  	[sflag:s20] =	ssyncadd.s32 $0xFFFFF800  }
0xa5: {  	_ =	swait.ge [sflag:s20], $0x800  }
0xa6: {  	[sflag:s20] =	ssyncset.done $0x0  }
0xa7: {  	[sflag:s20] =	ssyncadd.s32 $0xFFFFF800  }
0xa8: {  	_ =	swait.ge [sflag:s20], $0x800  }
0xa9: {  	[sflag:s20] =	ssyncset.done $0x0  }
0xaa: {  	[sflag:s20] =	ssyncadd.s32 $0xFFFFF800  }
0xab: {  	_ =	swait.ge [sflag:s20], $0x800  }
0xac: {  	[sflag:s20] =	ssyncset.done $0x0  }
0xad: {  	[sflag:s20] =	ssyncadd.s32 $0xFFFFF800  }
0xae: {  	_ =	swait.ge [sflag:s20], $0x800  }
0xaf: {  	[sflag:s20] =	ssyncset.done $0x0  }
0xb0: {  	[sflag:s20] =	ssyncadd.s32 $0xFFFFF800  }
0xb1: {  	_ =	swait.ge [sflag:s20], $0x800  }
0xb2: {  	[sflag:s20] =	ssyncset.done $0x0  }
0xb3: {  	[sflag:s20] =	ssyncadd.s32 $0xFFFFF800  }
0xb4: {  	_ =	swait.ge [sflag:s20], $0x800  }
.Ltmp0:
0xb5: {  	[sflag:s20] =	ssyncset.done $0x0;
	(pc) =	sbr.rel @p0 .LBB2_2-.Ltmp0, $4  }
0xb6: {  	[sflag:s20] =	ssyncadd.s32 $0xFFFFF800  }
0xb7: {  	[hbm4b:s14+s2] =	stream.linear.scatter [tilespmem:s21], [sflag:$0x2], $0x6800, $0x38;
	[tilespmem:$0xBE00] =	vst v63  }
0xb8: {  	_ =	swait.ge [sflag:s10], $0x6800  }
0xb9: {  	s16 =	smov.u32 s17;
	s14 =	sadd.s32 $0xD00, s14;
	[sflag:s10] =	ssyncset.done $0x0  }
0xba: {  	s5 =	sshra.s32 s15, $0x2;
	[sflag:s10] =	ssyncadd.s32 $0xFFFF9800  }
0xbb: {  	[tilespmem:s21], [sflag:$0x1] =	stream.indirect.gather [hbm4b:s3+s12], $0x10, s5, s12, $0xb8;
	[tilespmem:$0xBE00] =	vst v63  }
0xbc: {  	s6 =	rddreg [dreg:$0x3];
	s15 =	sadd.s32 $0x80, s5  }
0xbd: {  	[tilespmem:s6], [sflag:$0x1] =	stream.indirect.gather [hbm4b:s3+s12], $0x10, s15, s12, $0xb8;
	[tilespmem:$0xBE00] =	vst v63  }
0xbe: {  	s16 =	rddreg [dreg:$0x4];
	s15 =	sadd.s32 $0x100, s5  }
0xbf: {  	[tilespmem:s16], [sflag:$0x1] =	stream.indirect.gather [hbm4b:s3+s12], $0x10, s15, s12, $0xb8;
	[tilespmem:$0xBE00] =	vst v63  }
0xc0: {  	s16 =	sadd.s32 $0x180, s5  }
0xc1: {  	[tilespmem:s22], [sflag:$0x1] =	stream.indirect.gather [hbm4b:s3+s12], $0x10, s16, s12, $0xb8;
	[tilespmem:$0xBE00] =	vst v63  }
0xc2: {  	s17 =	sadd.s32 $0x200, s5  }
0xc3: {  	[tilespmem:s23], [sflag:$0x1] =	stream.indirect.gather [hbm4b:s3+s12], $0x10, s17, s12, $0xb8;
	[tilespmem:$0xBE00] =	vst v63  }
0xc4: {  	s18 =	sadd.s32 $0x280, s5  }
0xc5: {  	[tilespmem:s24], [sflag:$0x1] =	stream.indirect.gather [hbm4b:s3+s12], $0x10, s18, s12, $0xb8;
	[tilespmem:$0xBE00] =	vst v63  }
0xc6: {  	s19 =	sadd.s32 $0x300, s5  }
0xc7: {  	[tilespmem:s25], [sflag:$0x1] =	stream.indirect.gather [hbm4b:s3+s12], $0x10, s19, s12, $0xb8;
	[tilespmem:$0xBE00] =	vst v63  }
0xc8: {  	s15 =	sadd.s32 $0x380, s5  }
0xc9: {  	[tilespmem:s26], [sflag:$0x1] =	stream.indirect.gather [hbm4b:s3+s12], $0x10, s15, s12, $0xb8;
	[tilespmem:$0xBE00] =	vst v63  }
0xca: {  	s16 =	sadd.s32 $0x400, s5  }
0xcb: {  	[tilespmem:s28], [sflag:$0x1] =	stream.indirect.gather [hbm4b:s3+s12], $0x10, s16, s12, $0xb8;
	[tilespmem:$0xBE00] =	vst v63  }
0xcc: {  	s17 =	sadd.s32 $0x480, s5  }
0xcd: {  	[tilespmem:s29], [sflag:$0x1] =	stream.indirect.gather [hbm4b:s3+s12], $0x10, s17, s12, $0xb8;
	[tilespmem:$0xBE00] =	vst v63  }
0xce: {  	s18 =	sadd.s32 $0x500, s5  }
0xcf: {  	[tilespmem:s30], [sflag:$0x1] =	stream.indirect.gather [hbm4b:s3+s12], $0x10, s18, s12, $0xb8;
	[tilespmem:$0xBE00] =	vst v63  }
0xd0: {  	s19 =	sadd.s32 $0x580, s5  }
0xd1: {  	[tilespmem:s31], [sflag:$0x1] =	stream.indirect.gather [hbm4b:s3+s12], $0x10, s19, s12, $0xb8;
	[tilespmem:$0xBE00] =	vst v63  }
0xd2: {  	s5 =	sadd.s32 $0x600, s5  }
0xd3: {  	[tilespmem:s1], [sflag:$0x1] =	stream.indirect.gather [hbm4b:s3+s12], $0x10, s5, s12, $0xb8;
	[tilespmem:$0xBE00] =	vst v63  }
0xd4: {  	_ =	swait.ge [sflag:s20], $0x800  }
0xd5: {  	[sflag:s20] =	ssyncset.done $0x0  }
0xd6: {  	[sflag:s20] =	ssyncadd.s32 $0xFFFFF800  }
0xd7: {  	_ =	swait.ge [sflag:s20], $0x800  }
0xd8: {  	[sflag:s20] =	ssyncset.done $0x0  }
0xd9: {  	[sflag:s20] =	ssyncadd.s32 $0xFFFFF800  }
0xda: {  	_ =	swait.ge [sflag:s20], $0x800  }
0xdb: {  	[sflag:s20] =	ssyncset.done $0x0  }
0xdc: {  	[sflag:s20] =	ssyncadd.s32 $0xFFFFF800  }
0xdd: {  	_ =	swait.ge [sflag:s20], $0x800  }
0xde: {  	[sflag:s20] =	ssyncset.done $0x0  }
0xdf: {  	[sflag:s20] =	ssyncadd.s32 $0xFFFFF800  }
0xe0: {  	_ =	swait.ge [sflag:s20], $0x800  }
0xe1: {  	[sflag:s20] =	ssyncset.done $0x0  }
0xe2: {  	[sflag:s20] =	ssyncadd.s32 $0xFFFFF800  }
0xe3: {  	_ =	swait.ge [sflag:s20], $0x800  }
0xe4: {  	[sflag:s20] =	ssyncset.done $0x0  }
0xe5: {  	[sflag:s20] =	ssyncadd.s32 $0xFFFFF800  }
0xe6: {  	_ =	swait.ge [sflag:s20], $0x800  }
0xe7: {  	[sflag:s20] =	ssyncset.done $0x0  }
0xe8: {  	[sflag:s20] =	ssyncadd.s32 $0xFFFFF800  }
0xe9: {  	_ =	swait.ge [sflag:s20], $0x800  }
0xea: {  	[sflag:s20] =	ssyncset.done $0x0  }
0xeb: {  	[sflag:s20] =	ssyncadd.s32 $0xFFFFF800  }
0xec: {  	_ =	swait.ge [sflag:s20], $0x800  }
0xed: {  	[sflag:s20] =	ssyncset.done $0x0  }
0xee: {  	[sflag:s20] =	ssyncadd.s32 $0xFFFFF800  }
0xef: {  	_ =	swait.ge [sflag:s20], $0x800  }
0xf0: {  	[sflag:s20] =	ssyncset.done $0x0  }
0xf1: {  	[sflag:s20] =	ssyncadd.s32 $0xFFFFF800  }
0xf2: {  	_ =	swait.ge [sflag:s20], $0x800  }
0xf3: {  	[sflag:s20] =	ssyncset.done $0x0  }
0xf4: {  	[sflag:s20] =	ssyncadd.s32 $0xFFFFF800  }
0xf5: {  	_ =	swait.ge [sflag:s20], $0x800  }
0xf6: {  	[sflag:s20] =	ssyncset.done $0x0  }
0xf7: {  	[sflag:s20] =	ssyncadd.s32 $0xFFFFF800  }
0xf8: {  	s0 =	sadd.s32 $0x1, s0;
	_ =	swait.ge [sflag:s20], $0x800  }
0xf9: {  	p0 =	sne.s32 s0, s8;
	[sflag:s20] =	ssyncset.done $0x0  }
.Ltmp1:
0xfa: {  	[sflag:s20] =	ssyncadd.s32 $0xFFFFF800;
	(pc) =	sbr.rel @p0 .LBB2_1-.Ltmp1, $4  }
0xfb: {  	[hbm4b:s14+s2] =	stream.linear.scatter [tilespmem:s21], [sflag:$0x2], $0x6800, $0x38;
	[tilespmem:$0xBE00] =	vst v63  }
0xfc: {  	_ =	swait.ge [sflag:s10], $0x6800  }
0xfd: {  	[sflag:s10] =	ssyncset.done $0x0  }
0xfe: {  	[sflag:s10] =	ssyncadd.s32 $0xFFFF9800  }
0xff: {  	_ =	sfence.sel $0x180000  }
0x100: {  	[bflag:$0x0] =	sbarrier.arrive $0xFFFF  }
0x101: {  	_ =	strace $0x90000047  }
0x102: {  	s0 =	stileid.u32;
	[bflag:$0x2] =	sbarrier.arrive $0xFFFF  }
0x103: {  	p0 =	sne.s32 s0, $0x0;
	s0 =	rddreg [dreg:$0x2]  }
0x104: {  	s0 =	sadd.s32 @!p0 $0x100000, s0  }
0x105: {  	[sflag:s0] =	ssyncadd.tile.s32 @!p0 $0x1;
	_ =	shalt  }
.Lfunc_end2:
_tile_overlayer_lowered:
.L_overlay_start_2:
0x106: {  	(tag) =	ssettag $0x2  }
0x107: {  	s0 =	rddreg [dreg:$0x0];
	s2 =	stileid.u32  }
0x108: {  	s1 =	rddreg [dreg:$0x1];
	p0 =	sne.s32 s2, $0x0  }
0x109: {  	s3 =	rddreg [dreg:$0x2];
	[bflag:$0x3] =	sbarrier.arrive $0xFFFF;
	s2 =	simm.s32 @!p0 $0x1C02  }
0x10a: {  	[timem:s3], [sflag:s2] =	dma.local @!p0 [hbm:s0], s1  }
0x10b: {  	s0 =	simm.s32 @!p0 $0x2  }
0x10c: {  	_ =	swait.ge @!p0 [sflag:s0], s1  }
0x10d: {  	s1 =	ssub.s32 @!p0 $0x0, s1;
	[sflag:s0] =	ssyncset.done @!p0 $0x0  }
0x10e: {  	[sflag:s0] =	ssyncadd.s32 @!p0 s1  }
0x10f: {  	[bflag:$0x3] =	sbarrier.arrive $0xFFFF  }
0x110: {  	_ =	shalt  }

</sc_bundles>
